<compile_context>
chip_gen: v7x
topology: tpu7x:2x2x1
jax: 0.10.2.dev20260603
libtpu: 0.0.44.dev20260713+nightly
codegen_flags: <defaults>
</compile_context>

<pallas_src>
import functools

import jax
import jax.numpy as jnp
import numpy as np
from jax import lax
from jax.experimental import pallas as pl
from jax.experimental.pallas import tpu as pltpu
from jax.experimental.pallas import tpu_sc as plsc

N_POINTS = 2048
N_CENTROIDS = 512
N_NEIGHBORS = 32
RADIUS_SQ = np.float32(0.4 * 0.4)
EPAD = 128


def _fps_body(xyz_ref, cent_ref):
    x = xyz_ref[:, 0, :]
    y = xyz_ref[:, 1, :]
    z = xyz_ref[:, 2, :]
    B, N = x.shape
    iota = lax.broadcasted_iota(jnp.int32, (B, N), 1)
    iota_s = lax.broadcasted_iota(jnp.int32, (B, N_CENTROIDS), 1)

    def step(t, carry):
        dists, cx, cy, cz, ax, ay, az = carry
        sel = iota_s == t
        ax = ax + jnp.where(sel, cx, 0.0)
        ay = ay + jnp.where(sel, cy, 0.0)
        az = az + jnp.where(sel, cz, 0.0)
        dx = x - cx
        dy = y - cy
        dz = z - cz
        d = dx * dx + dy * dy + dz * dz
        dists = jnp.minimum(dists, d)
        m = jnp.max(dists, axis=1, keepdims=True)
        nxt = jnp.min(jnp.where(dists == m, iota, N), axis=1, keepdims=True)
        onehot = iota == nxt
        cnx = jnp.sum(jnp.where(onehot, x, 0.0), axis=1, keepdims=True)
        cny = jnp.sum(jnp.where(onehot, y, 0.0), axis=1, keepdims=True)
        cnz = jnp.sum(jnp.where(onehot, z, 0.0), axis=1, keepdims=True)
        return dists, cnx, cny, cnz, ax, ay, az

    dists0 = jnp.full((B, N), 1e10, dtype=jnp.float32)
    acc0 = jnp.zeros((B, N_CENTROIDS), jnp.float32)
    out = lax.fori_loop(
        0,
        N_CENTROIDS,
        step,
        (dists0, x[:, 0:1], y[:, 0:1], z[:, 0:1], acc0, acc0, acc0),
    )
    cent_ref[:, 0, :] = out[4]
    cent_ref[:, 1, :] = out[5]
    cent_ref[:, 2, :] = out[6]


def _fps(xyz_soa):
    B = xyz_soa.shape[0]
    return pl.pallas_call(
        _fps_body,
        out_shape=jax.ShapeDtypeStruct((B, 3, N_CENTROIDS), jnp.float32),
    )(xyz_soa)


def _embed_body(xyz_ref, feat_ref, w1_ref, b1_ref, cent_ref, e_ref, c_ref):
    w1 = w1_ref[...]
    wx = w1[:3, :]
    wf = w1[3:, :]
    e_ref[...] = (
        jnp.dot(xyz_ref[...], wx, preferred_element_type=jnp.float32)
        + jnp.dot(feat_ref[...], wf, preferred_element_type=jnp.float32)
        + b1_ref[...][None, :]
    )
    c_ref[...] = jnp.dot(cent_ref[...], wx[:, : w1.shape[1] // 2], preferred_element_type=jnp.float32)


def _embed(xyz_flat, feat_flat, W1p, b1p, cent_flat):
    R = feat_flat.shape[0]
    S = cent_flat.shape[0]
    H = W1p.shape[1]
    return pl.pallas_call(
        _embed_body,
        out_shape=(
            jax.ShapeDtypeStruct((R, H), jnp.float32),
            jax.ShapeDtypeStruct((S, H // 2), jnp.float32),
        ),
    )(xyz_flat, feat_flat, W1p, b1p, cent_flat)


def _select_body(xyz_ref, cent_ref, idx_ref):
    b = pl.program_id(0)
    x = xyz_ref[0, 0, :]
    y = xyz_ref[0, 1, :]
    z = xyz_ref[0, 2, :]
    cx = cent_ref[0, 0, :]
    cy = cent_ref[0, 1, :]
    cz = cent_ref[0, 2, :]
    S = cx.shape[0]
    N = x.shape[0]
    dx = cx[:, None] - x[None, :]
    dy = cy[:, None] - y[None, :]
    dz = cz[:, None] - z[None, :]
    d = dx * dx + dy * dy + dz * dz
    mask_f = jnp.where(d <= RADIUS_SQ, 1.0, 0.0).astype(jnp.float32)
    NW = N // 16
    n_io = lax.broadcasted_iota(jnp.int32, (N, NW), 0)
    c_io = lax.broadcasted_iota(jnp.int32, (N, NW), 1)
    P = jnp.where((n_io >> 4) == c_io, 1 << (n_io & 15), 0).astype(jnp.float32)
    words = jnp.dot(mask_f, P, preferred_element_type=jnp.float32).astype(jnp.int32)
    ciota = lax.broadcasted_iota(jnp.int32, (S, NW), 1)
    base = b * N
    slots = []
    fill = None
    for j in range(N_NEIGHBORS):
        nz = words != 0
        wsel = jnp.min(jnp.where(nz, ciota, NW), axis=1, keepdims=True)
        sel = ciota == wsel
        wv = jnp.sum(jnp.where(sel, words, 0), axis=1, keepdims=True)
        lsb = wv & -wv
        eb = (lax.bitcast_convert_type(lsb.astype(jnp.float32), jnp.int32) >> 23) - 127
        idx = wsel * 16 + eb
        valid = wsel < NW
        if fill is None:
            fill = jnp.where(valid, idx, 0)
        slots.append(jnp.where(valid, idx, fill) + base)
        words = jnp.where(sel, words ^ lsb, words)
    idx_ref[0, :, :] = jnp.concatenate(slots, axis=1)


def _select(xyz_soa, cent):
    B = xyz_soa.shape[0]
    return pl.pallas_call(
        _select_body,
        grid=(B,),
        in_specs=[
            pl.BlockSpec((1, 3, N_POINTS), lambda i: (i, 0, 0)),
            pl.BlockSpec((1, 3, N_CENTROIDS), lambda i: (i, 0, 0)),
        ],
        out_specs=pl.BlockSpec((1, N_CENTROIDS, N_NEIGHBORS), lambda i: (i, 0, 0)),
        out_shape=jax.ShapeDtypeStruct((B, N_CENTROIDS, N_NEIGHBORS), jnp.int32),
    )(xyz_soa, cent)


_GCHUNK = 128


def _scgather_body(
    idx_hbm, e_hbm, out_hbm, idx_v0, idx_v1, rows_v0, rows_v1, sem0, sem1
):
    wid = lax.axis_index("c") * 16 + lax.axis_index("s")
    rows_total = idx_hbm.shape[0]
    per_w = rows_total // 32
    nchunk = per_w // _GCHUNK
    w0 = wid * per_w

    def fire(t, idx_v, rows_v, sem):
        pltpu.sync_copy(idx_hbm.at[pl.ds(w0 + t * _GCHUNK, _GCHUNK)], idx_v)
        pltpu.async_copy(e_hbm.at[idx_v], rows_v, sem)

    def drain_store(t, idx_v, rows_v, sem):
        pltpu.make_async_copy(e_hbm.at[idx_v], rows_v, sem).wait()
        pltpu.sync_copy(rows_v, out_hbm.at[pl.ds(w0 + t * _GCHUNK, _GCHUNK)])

    fire(0, idx_v0, rows_v0, sem0)
    fire(1, idx_v1, rows_v1, sem1)

    def step(i, carry):
        t = 2 * i
        drain_store(t, idx_v0, rows_v0, sem0)
        fire(t + 2, idx_v0, rows_v0, sem0)
        drain_store(t + 1, idx_v1, rows_v1, sem1)
        fire(t + 3, idx_v1, rows_v1, sem1)
        return carry

    lax.fori_loop(0, nchunk // 2 - 1, step, jnp.int32(0))
    drain_store(nchunk - 2, idx_v0, rows_v0, sem0)
    drain_store(nchunk - 1, idx_v1, rows_v1, sem1)


def _scgather(idx_flat, e):
    R = idx_flat.shape[0]
    mesh = plsc.VectorSubcoreMesh(core_axis_name="c", subcore_axis_name="s")
    run = functools.partial(
        pl.kernel,
        out_type=jax.ShapeDtypeStruct((R, EPAD), jnp.float32),
        mesh=mesh,
        scratch_types=[
            pltpu.VMEM((_GCHUNK,), jnp.int32),
            pltpu.VMEM((_GCHUNK,), jnp.int32),
            pltpu.VMEM((_GCHUNK, EPAD), jnp.float32),
            pltpu.VMEM((_GCHUNK, EPAD), jnp.float32),
            pltpu.SemaphoreType.DMA,
            pltpu.SemaphoreType.DMA,
        ],
    )(_scgather_body)
    return run(idx_flat, e)


def _mlp_body(g_ref, c_ref, w2_ref, b2_ref, out_ref):
    S, K, _ = g_ref.shape
    H = c_ref.shape[1]
    h1 = jax.nn.relu(g_ref[:, :, :H] - c_ref[...][:, None, :])
    h2 = jnp.dot(
        h1.reshape(S * K, H), w2_ref[...], preferred_element_type=jnp.float32
    )
    h2 = jax.nn.relu(h2 + b2_ref[...][None, :])
    out_ref[...] = jnp.max(h2.reshape(S, K, -1), axis=1)


def _mlp_pool(g, c, W2, b2):
    S_total, K, E = g.shape
    H = c.shape[1]
    O = W2.shape[1]
    BLK = 512
    grid = S_total // BLK
    return pl.pallas_call(
        _mlp_body,
        grid=(grid,),
        in_specs=[
            pl.BlockSpec((BLK, K, E), lambda i: (i, 0, 0)),
            pl.BlockSpec((BLK, H), lambda i: (i, 0)),
            pl.BlockSpec((H, O), lambda i: (0, 0)),
            pl.BlockSpec((O,), lambda i: (0,)),
        ],
        out_specs=pl.BlockSpec((BLK, O), lambda i: (i, 0)),
        out_shape=jax.ShapeDtypeStruct((S_total, O), jnp.float32),
    )(g, c, W2, b2)


def kernel(xyz, features, W1, b1, W2, b2):
    B, N, _ = xyz.shape
    C = features.shape[2]
    H = W1.shape[1]
    xyz_soa = jnp.transpose(xyz, (0, 2, 1))
    cent = _fps(xyz_soa)
    new_xyz = jnp.transpose(cent, (0, 2, 1))
    W1p = jnp.pad(W1, ((0, 0), (0, EPAD - H)))
    b1p = jnp.pad(b1, (0, EPAD - H))
    e, c = _embed(
        xyz.reshape(B * N, 3),
        features.reshape(B * N, C),
        W1p,
        b1p,
        new_xyz.reshape(B * N_CENTROIDS, 3),
    )
    idx = _select(xyz_soa, cent)
    g = _scgather(idx.reshape(-1), e)
    out = _mlp_pool(g.reshape(B * N_CENTROIDS, N_NEIGHBORS, EPAD), c, W2, b2)
    return new_xyz, out.reshape(B, N_CENTROIDS, -1)

# --- scband reference (transcript-rebuilt; emitter-appended) ---
"""Pipeline reference for scband-pointnet-samodule-base-57793079935582 (READ-ONLY COPY).

The authoritative reference and input builder live on the scoring server;
editing this copy changes nothing except your own understanding.
"""

import jax, jax.numpy as jnp
import numpy as np

NPOINT = 512
RADIUS = 0.4
NSAMPLE = 32


def farthest_point_sample(xyz, npoint):
    B, N, _ = xyz.shape
    dists0 = jnp.full((B, N), 1e10, dtype=xyz.dtype)
    farthest0 = jnp.zeros((B,), dtype=jnp.int32)

    def step(carry, _):
        dists, farthest = carry
        centroid = jnp.take_along_axis(xyz, farthest[:, None, None], axis=1)  # (B,1,3)
        d = jnp.sum((xyz - centroid) ** 2, axis=-1)  # (B,N)
        dists = jnp.minimum(dists, d)
        nxt = jnp.argmax(dists, axis=-1).astype(jnp.int32)
        return (dists, nxt), farthest

    (_, _), idxs = jax.lax.scan(step, (dists0, farthest0), None, length=npoint)
    return jnp.transpose(idxs)  # (B, npoint)


def ball_query(radius, nsample, xyz, new_xyz):
    B, S, _ = new_xyz.shape
    N = xyz.shape[1]
    sqrdists = jnp.sum((new_xyz[:, :, None, :] - xyz[:, None, :, :]) ** 2, axis=-1)  # (B,S,N)
    idx = jnp.broadcast_to(jnp.arange(N, dtype=jnp.int32), (B, S, N))
    idx = jnp.where(sqrdists > radius * radius, N, idx)
    idx = jnp.sort(idx, axis=-1)[:, :, :nsample]
    first = idx[:, :, :1]
    idx = jnp.where(idx == N, first, idx)
    idx = jnp.where(idx == N, 0, idx)  # fallback if no neighbor in radius
    return idx


def setup_inputs(seed: int = 0):
    key = jax.random.key(seed)
    k1, k2, k3, k4 = jax.random.split(key, 4)
    xyz = jax.random.uniform(k1, (8, 2048, 3), dtype=jnp.float32)
    features = jax.random.normal(k2, (8, 2048, 64), dtype=jnp.float32)
    W1 = jax.random.normal(k3, (3 + 64, 64), dtype=jnp.float32) * 0.1
    b1 = jnp.zeros((64,), dtype=jnp.float32)
    W2 = jax.random.normal(k4, (64, 128), dtype=jnp.float32) * 0.1
    b2 = jnp.zeros((128,), dtype=jnp.float32)
    return {"xyz": xyz, "features": features, "W1": W1, "b1": b1, "W2": W2, "b2": b2}


def reference(xyz, features, W1, b1, W2, b2):
    B = xyz.shape[0]
    fps_idx = farthest_point_sample(xyz, NPOINT)  # (B, npoint)
    new_xyz = jnp.take_along_axis(xyz, fps_idx[:, :, None], axis=1)  # (B, npoint, 3)
    idx = ball_query(RADIUS, NSAMPLE, xyz, new_xyz)  # (B, npoint, nsample)
    bidx = jnp.arange(B)[:, None, None]
    grouped_xyz = xyz[bidx, idx] - new_xyz[:, :, None, :]  # (B, npoint, nsample, 3)
    grouped_feat = features[bidx, idx]  # (B, npoint, nsample, C)
    nf = jnp.concatenate([grouped_xyz, grouped_feat], axis=-1)  # (B, npoint, nsample, 3+C)
    h = jax.nn.relu(nf @ W1 + b1)
    h = jax.nn.relu(h @ W2 + b2)
    new_features = jnp.max(h, axis=2)  # max_pool over nsample -> (B, npoint, 128)
    return (new_xyz, new_features)

if __name__ == "__main__":
    import jax
    _d = setup_inputs()
    print(jax.jit(kernel)(*tuple(_d.values())))

</pallas_src>

<mosaic_0001>
#map = affine_map<(d0, d1) -> (0)>
#map1 = affine_map<(d0, d1) -> (0, 0)>
module attributes {stable_mosaic.version = 14 : i64} {
  func.func @_scgather_body(%arg0: i32, %arg1: i32, %arg2: memref<131072xi32, #tpu.memory_space<hbm>>, %arg3: memref<16384x128xf32, #tpu.memory_space<hbm>>, %arg4: memref<131072x128xf32, #tpu.memory_space<hbm>>, %arg5: memref<128xi32, #tpu.memory_space<vmem>>, %arg6: memref<128xi32, #tpu.memory_space<vmem>>, %arg7: memref<128x128xf32, #tpu.memory_space<vmem>>, %arg8: memref<128x128xf32, #tpu.memory_space<vmem>>, %arg9: memref<!tpu.dma_semaphore, #tpu.memory_space<semaphore_mem>>, %arg10: memref<!tpu.dma_semaphore, #tpu.memory_space<semaphore_mem>>) attributes {dimension_semantics = [#tpu.dimension_semantics<core_parallel>, #tpu.dimension_semantics<subcore_parallel>], iteration_bounds = array<i64: 2, 16>, scalar_prefetch = 0 : i64, scratch_operands = 6 : i64, tpu.core_type = #tpu.core_type<sc_vector_subcore>, window_params = [{transform_indices = #map}, {transform_indices = #map1}, {transform_indices = #map1}]} {
    %mul3A = arith.constant 16 : i32
    %mul3A_0 = arith.muli %arg0, %mul3A : i32
    %add3A = arith.addi %mul3A_0, %arg1 : i32
    %mul3A_1 = arith.constant 4096 : i32
    %mul3A_2 = arith.muli %add3A, %mul3A_1 : i32
    %add3A_3 = arith.constant 0 : i32
    %add3A_4 = arith.addi %mul3A_2, %add3A_3 : i32
    "tpu.region"() ({
      %run_scoped3A = tpu.sem_alloc : memref<!tpu.dma_semaphore, #tpu.memory_space<semaphore_mem>>
      %dma_start3A_26 = tpu.memref_slice %arg2[%add3A_4] : memref<131072xi32, #tpu.memory_space<hbm>> -> memref<128xi32, #tpu.memory_space<hbm>>
      %dma_start3A_27 = tpu.memref_slice %arg2[%add3A_4] : memref<131072xi32, #tpu.memory_space<hbm>> -> memref<128xi32, #tpu.memory_space<hbm>>
      tpu.enqueue_dma source(%dma_start3A_27 : memref<128xi32, #tpu.memory_space<hbm>>) target(%arg5 : memref<128xi32, #tpu.memory_space<vmem>>) target_semaphore(%run_scoped3A : memref<!tpu.dma_semaphore, #tpu.memory_space<semaphore_mem>>)
      %dma_wait3A_28 = tpu.memref_slice %arg2[%add3A_4] : memref<131072xi32, #tpu.memory_space<hbm>> -> memref<128xi32, #tpu.memory_space<hbm>>
      %dma_wait3A_29 = tpu.memref_slice %arg2[%add3A_4] : memref<131072xi32, #tpu.memory_space<hbm>> -> memref<128xi32, #tpu.memory_space<hbm>>
      tpu.wait_dma2 semaphore(%run_scoped3A : memref<!tpu.dma_semaphore, #tpu.memory_space<semaphore_mem>>) src(%dma_wait3A_29 : memref<128xi32, #tpu.memory_space<hbm>>) dst(%arg5 : memref<128xi32, #tpu.memory_space<vmem>>)
      tpu.yield
    }) : () -> ()
    %dma_start3A = arith.constant 0 : i32
    %dma_start3A_5 = arith.constant 0 : i32
    %dma_start3A_6 = tpu.memref_slice %arg3[%dma_start3A, %dma_start3A_5] : memref<16384x128xf32, #tpu.memory_space<hbm>> -> memref<16384x128xf32, #tpu.memory_space<hbm>>
    tpu.enqueue_indirect_dma source(%dma_start3A_6 : memref<16384x128xf32, #tpu.memory_space<hbm>>) target(%arg7 : memref<128x128xf32, #tpu.memory_space<vmem>>) offsets(%arg5 : memref<128xi32, #tpu.memory_space<vmem>>) semaphore(%arg9 : memref<!tpu.dma_semaphore, #tpu.memory_space<semaphore_mem>>)
    %add3A_7 = arith.constant 128 : i32
    %add3A_8 = arith.addi %mul3A_2, %add3A_7 : i32
    "tpu.region"() ({
      %run_scoped3A = tpu.sem_alloc : memref<!tpu.dma_semaphore, #tpu.memory_space<semaphore_mem>>
      %dma_start3A_26 = tpu.memref_slice %arg2[%add3A_8] : memref<131072xi32, #tpu.memory_space<hbm>> -> memref<128xi32, #tpu.memory_space<hbm>>
      %dma_start3A_27 = tpu.memref_slice %arg2[%add3A_8] : memref<131072xi32, #tpu.memory_space<hbm>> -> memref<128xi32, #tpu.memory_space<hbm>>
      tpu.enqueue_dma source(%dma_start3A_27 : memref<128xi32, #tpu.memory_space<hbm>>) target(%arg6 : memref<128xi32, #tpu.memory_space<vmem>>) target_semaphore(%run_scoped3A : memref<!tpu.dma_semaphore, #tpu.memory_space<semaphore_mem>>)
      %dma_wait3A_28 = tpu.memref_slice %arg2[%add3A_8] : memref<131072xi32, #tpu.memory_space<hbm>> -> memref<128xi32, #tpu.memory_space<hbm>>
      %dma_wait3A_29 = tpu.memref_slice %arg2[%add3A_8] : memref<131072xi32, #tpu.memory_space<hbm>> -> memref<128xi32, #tpu.memory_space<hbm>>
      tpu.wait_dma2 semaphore(%run_scoped3A : memref<!tpu.dma_semaphore, #tpu.memory_space<semaphore_mem>>) src(%dma_wait3A_29 : memref<128xi32, #tpu.memory_space<hbm>>) dst(%arg6 : memref<128xi32, #tpu.memory_space<vmem>>)
      tpu.yield
    }) : () -> ()
    %dma_start3A_9 = arith.constant 0 : i32
    %dma_start3A_10 = arith.constant 0 : i32
    %dma_start3A_11 = tpu.memref_slice %arg3[%dma_start3A_9, %dma_start3A_10] : memref<16384x128xf32, #tpu.memory_space<hbm>> -> memref<16384x128xf32, #tpu.memory_space<hbm>>
    tpu.enqueue_indirect_dma source(%dma_start3A_11 : memref<16384x128xf32, #tpu.memory_space<hbm>>) target(%arg8 : memref<128x128xf32, #tpu.memory_space<vmem>>) offsets(%arg6 : memref<128xi32, #tpu.memory_space<vmem>>) semaphore(%arg10 : memref<!tpu.dma_semaphore, #tpu.memory_space<semaphore_mem>>)
    %scan3A = arith.constant 0 : i32
    %scan3A_12 = arith.constant 0 : i32
    %scan3A_13 = arith.constant 15 : i32
    %scan3A_14 = arith.addi %scan3A_12, %scan3A_13 : i32
    %scan3A_15 = arith.constant 1 : i32
    scf.for %scan3A_26 = %scan3A_12 to %scan3A_14 step %scan3A_15  : i32 {
      %mul3A_27 = arith.constant 2 : i32
      %mul3A_28 = arith.muli %mul3A_27, %scan3A_26 : i32
      %dma_wait3A_29 = arith.constant 0 : i32
      %dma_wait3A_30 = arith.constant 0 : i32
      %dma_wait3A_31 = tpu.memref_slice %arg3[%dma_wait3A_29, %dma_wait3A_30] : memref<16384x128xf32, #tpu.memory_space<hbm>> -> memref<16384x128xf32, #tpu.memory_space<hbm>>
      tpu.wait_indirect_dma semaphore(%arg9 : memref<!tpu.dma_semaphore, #tpu.memory_space<semaphore_mem>>) src(%dma_wait3A_31 : memref<16384x128xf32, #tpu.memory_space<hbm>>) dst(%arg7 : memref<128x128xf32, #tpu.memory_space<vmem>>)
      %mul3A_32 = arith.constant 128 : i32
      %mul3A_33 = arith.muli %mul3A_28, %mul3A_32 : i32
      %add3A_34 = arith.addi %mul3A_2, %mul3A_33 : i32
      "tpu.region"() ({
        %run_scoped3A = tpu.sem_alloc : memref<!tpu.dma_semaphore, #tpu.memory_space<semaphore_mem>>
        %dma_start3A_59 = arith.constant 0 : i32
        %dma_start3A_60 = tpu.memref_slice %arg4[%add3A_34, %dma_start3A_59] : memref<131072x128xf32, #tpu.memory_space<hbm>> -> memref<128x128xf32, #tpu.memory_space<hbm>>
        %dma_start3A_61 = arith.constant 0 : i32
        %dma_start3A_62 = tpu.memref_slice %arg4[%add3A_34, %dma_start3A_61] : memref<131072x128xf32, #tpu.memory_space<hbm>> -> memref<128x128xf32, #tpu.memory_space<hbm>>
        tpu.enqueue_dma source(%arg7 : memref<128x128xf32, #tpu.memory_space<vmem>>) target(%dma_start3A_62 : memref<128x128xf32, #tpu.memory_space<hbm>>) target_semaphore(%run_scoped3A : memref<!tpu.dma_semaphore, #tpu.memory_space<semaphore_mem>>)
        %dma_wait3A_63 = arith.constant 0 : i32
        %dma_wait3A_64 = tpu.memref_slice %arg4[%add3A_34, %dma_wait3A_63] : memref<131072x128xf32, #tpu.memory_space<hbm>> -> memref<128x128xf32, #tpu.memory_space<hbm>>
        %dma_wait3A_65 = arith.constant 0 : i32
        %dma_wait3A_66 = tpu.memref_slice %arg4[%add3A_34, %dma_wait3A_65] : memref<131072x128xf32, #tpu.memory_space<hbm>> -> memref<128x128xf32, #tpu.memory_space<hbm>>
        tpu.wait_dma2 semaphore(%run_scoped3A : memref<!tpu.dma_semaphore, #tpu.memory_space<semaphore_mem>>) src(%arg7 : memref<128x128xf32, #tpu.memory_space<vmem>>) dst(%dma_wait3A_66 : memref<128x128xf32, #tpu.memory_space<hbm>>)
        tpu.yield
      }) : () -> ()
      %add3A_35 = arith.constant 2 : i32
      %add3A_36 = arith.addi %mul3A_28, %add3A_35 : i32
      %mul3A_37 = arith.constant 128 : i32
      %mul3A_38 = arith.muli %add3A_36, %mul3A_37 : i32
      %add3A_39 = arith.addi %mul3A_2, %mul3A_38 : i32
      "tpu.region"() ({
        %run_scoped3A = tpu.sem_alloc : memref<!tpu.dma_semaphore, #tpu.memory_space<semaphore_mem>>
        %dma_start3A_59 = tpu.memref_slice %arg2[%add3A_39] : memref<131072xi32, #tpu.memory_space<hbm>> -> memref<128xi32, #tpu.memory_space<hbm>>
        %dma_start3A_60 = tpu.memref_slice %arg2[%add3A_39] : memref<131072xi32, #tpu.memory_space<hbm>> -> memref<128xi32, #tpu.memory_space<hbm>>
        tpu.enqueue_dma source(%dma_start3A_60 : memref<128xi32, #tpu.memory_space<hbm>>) target(%arg5 : memref<128xi32, #tpu.memory_space<vmem>>) target_semaphore(%run_scoped3A : memref<!tpu.dma_semaphore, #tpu.memory_space<semaphore_mem>>)
        %dma_wait3A_61 = tpu.memref_slice %arg2[%add3A_39] : memref<131072xi32, #tpu.memory_space<hbm>> -> memref<128xi32, #tpu.memory_space<hbm>>
        %dma_wait3A_62 = tpu.memref_slice %arg2[%add3A_39] : memref<131072xi32, #tpu.memory_space<hbm>> -> memref<128xi32, #tpu.memory_space<hbm>>
        tpu.wait_dma2 semaphore(%run_scoped3A : memref<!tpu.dma_semaphore, #tpu.memory_space<semaphore_mem>>) src(%dma_wait3A_62 : memref<128xi32, #tpu.memory_space<hbm>>) dst(%arg5 : memref<128xi32, #tpu.memory_space<vmem>>)
        tpu.yield
      }) : () -> ()
      %dma_start3A_40 = arith.constant 0 : i32
      %dma_start3A_41 = arith.constant 0 : i32
      %dma_start3A_42 = tpu.memref_slice %arg3[%dma_start3A_40, %dma_start3A_41] : memref<16384x128xf32, #tpu.memory_space<hbm>> -> memref<16384x128xf32, #tpu.memory_space<hbm>>
      tpu.enqueue_indirect_dma source(%dma_start3A_42 : memref<16384x128xf32, #tpu.memory_space<hbm>>) target(%arg7 : memref<128x128xf32, #tpu.memory_space<vmem>>) offsets(%arg5 : memref<128xi32, #tpu.memory_space<vmem>>) semaphore(%arg9 : memref<!tpu.dma_semaphore, #tpu.memory_space<semaphore_mem>>)
      %add3A_43 = arith.constant 1 : i32
      %add3A_44 = arith.addi %mul3A_28, %add3A_43 : i32
      %dma_wait3A_45 = arith.constant 0 : i32
      %dma_wait3A_46 = arith.constant 0 : i32
      %dma_wait3A_47 = tpu.memref_slice %arg3[%dma_wait3A_45, %dma_wait3A_46] : memref<16384x128xf32, #tpu.memory_space<hbm>> -> memref<16384x128xf32, #tpu.memory_space<hbm>>
      tpu.wait_indirect_dma semaphore(%arg10 : memref<!tpu.dma_semaphore, #tpu.memory_space<semaphore_mem>>) src(%dma_wait3A_47 : memref<16384x128xf32, #tpu.memory_space<hbm>>) dst(%arg8 : memref<128x128xf32, #tpu.memory_space<vmem>>)
      %mul3A_48 = arith.constant 128 : i32
      %mul3A_49 = arith.muli %add3A_44, %mul3A_48 : i32
      %add3A_50 = arith.addi %mul3A_2, %mul3A_49 : i32
      "tpu.region"() ({
        %run_scoped3A = tpu.sem_alloc : memref<!tpu.dma_semaphore, #tpu.memory_space<semaphore_mem>>
        %dma_start3A_59 = arith.constant 0 : i32
        %dma_start3A_60 = tpu.memref_slice %arg4[%add3A_50, %dma_start3A_59] : memref<131072x128xf32, #tpu.memory_space<hbm>> -> memref<128x128xf32, #tpu.memory_space<hbm>>
        %dma_start3A_61 = arith.constant 0 : i32
        %dma_start3A_62 = tpu.memref_slice %arg4[%add3A_50, %dma_start3A_61] : memref<131072x128xf32, #tpu.memory_space<hbm>> -> memref<128x128xf32, #tpu.memory_space<hbm>>
        tpu.enqueue_dma source(%arg8 : memref<128x128xf32, #tpu.memory_space<vmem>>) target(%dma_start3A_62 : memref<128x128xf32, #tpu.memory_space<hbm>>) target_semaphore(%run_scoped3A : memref<!tpu.dma_semaphore, #tpu.memory_space<semaphore_mem>>)
        %dma_wait3A_63 = arith.constant 0 : i32
        %dma_wait3A_64 = tpu.memref_slice %arg4[%add3A_50, %dma_wait3A_63] : memref<131072x128xf32, #tpu.memory_space<hbm>> -> memref<128x128xf32, #tpu.memory_space<hbm>>
        %dma_wait3A_65 = arith.constant 0 : i32
        %dma_wait3A_66 = tpu.memref_slice %arg4[%add3A_50, %dma_wait3A_65] : memref<131072x128xf32, #tpu.memory_space<hbm>> -> memref<128x128xf32, #tpu.memory_space<hbm>>
        tpu.wait_dma2 semaphore(%run_scoped3A : memref<!tpu.dma_semaphore, #tpu.memory_space<semaphore_mem>>) src(%arg8 : memref<128x128xf32, #tpu.memory_space<vmem>>) dst(%dma_wait3A_66 : memref<128x128xf32, #tpu.memory_space<hbm>>)
        tpu.yield
      }) : () -> ()
      %add3A_51 = arith.constant 3 : i32
      %add3A_52 = arith.addi %mul3A_28, %add3A_51 : i32
      %mul3A_53 = arith.constant 128 : i32
      %mul3A_54 = arith.muli %add3A_52, %mul3A_53 : i32
      %add3A_55 = arith.addi %mul3A_2, %mul3A_54 : i32
      "tpu.region"() ({
        %run_scoped3A = tpu.sem_alloc : memref<!tpu.dma_semaphore, #tpu.memory_space<semaphore_mem>>
        %dma_start3A_59 = tpu.memref_slice %arg2[%add3A_55] : memref<131072xi32, #tpu.memory_space<hbm>> -> memref<128xi32, #tpu.memory_space<hbm>>
        %dma_start3A_60 = tpu.memref_slice %arg2[%add3A_55] : memref<131072xi32, #tpu.memory_space<hbm>> -> memref<128xi32, #tpu.memory_space<hbm>>
        tpu.enqueue_dma source(%dma_start3A_60 : memref<128xi32, #tpu.memory_space<hbm>>) target(%arg6 : memref<128xi32, #tpu.memory_space<vmem>>) target_semaphore(%run_scoped3A : memref<!tpu.dma_semaphore, #tpu.memory_space<semaphore_mem>>)
        %dma_wait3A_61 = tpu.memref_slice %arg2[%add3A_55] : memref<131072xi32, #tpu.memory_space<hbm>> -> memref<128xi32, #tpu.memory_space<hbm>>
        %dma_wait3A_62 = tpu.memref_slice %arg2[%add3A_55] : memref<131072xi32, #tpu.memory_space<hbm>> -> memref<128xi32, #tpu.memory_space<hbm>>
        tpu.wait_dma2 semaphore(%run_scoped3A : memref<!tpu.dma_semaphore, #tpu.memory_space<semaphore_mem>>) src(%dma_wait3A_62 : memref<128xi32, #tpu.memory_space<hbm>>) dst(%arg6 : memref<128xi32, #tpu.memory_space<vmem>>)
        tpu.yield
      }) : () -> ()
      %dma_start3A_56 = arith.constant 0 : i32
      %dma_start3A_57 = arith.constant 0 : i32
      %dma_start3A_58 = tpu.memref_slice %arg3[%dma_start3A_56, %dma_start3A_57] : memref<16384x128xf32, #tpu.memory_space<hbm>> -> memref<16384x128xf32, #tpu.memory_space<hbm>>
      tpu.enqueue_indirect_dma source(%dma_start3A_58 : memref<16384x128xf32, #tpu.memory_space<hbm>>) target(%arg8 : memref<128x128xf32, #tpu.memory_space<vmem>>) offsets(%arg6 : memref<128xi32, #tpu.memory_space<vmem>>) semaphore(%arg10 : memref<!tpu.dma_semaphore, #tpu.memory_space<semaphore_mem>>)
    }
    %scan3A_16 = arith.constant 15 : i32
    %dma_wait3A = arith.constant 0 : i32
    %dma_wait3A_17 = arith.constant 0 : i32
    %dma_wait3A_18 = tpu.memref_slice %arg3[%dma_wait3A, %dma_wait3A_17] : memref<16384x128xf32, #tpu.memory_space<hbm>> -> memref<16384x128xf32, #tpu.memory_space<hbm>>
    tpu.wait_indirect_dma semaphore(%arg9 : memref<!tpu.dma_semaphore, #tpu.memory_space<semaphore_mem>>) src(%dma_wait3A_18 : memref<16384x128xf32, #tpu.memory_space<hbm>>) dst(%arg7 : memref<128x128xf32, #tpu.memory_space<vmem>>)
    %add3A_19 = arith.constant 3840 : i32
    %add3A_20 = arith.addi %mul3A_2, %add3A_19 : i32
    "tpu.region"() ({
      %run_scoped3A = tpu.sem_alloc : memref<!tpu.dma_semaphore, #tpu.memory_space<semaphore_mem>>
      %dma_start3A_26 = arith.constant 0 : i32
      %dma_start3A_27 = tpu.memref_slice %arg4[%add3A_20, %dma_start3A_26] : memref<131072x128xf32, #tpu.memory_space<hbm>> -> memref<128x128xf32, #tpu.memory_space<hbm>>
      %dma_start3A_28 = arith.constant 0 : i32
      %dma_start3A_29 = tpu.memref_slice %arg4[%add3A_20, %dma_start3A_28] : memref<131072x128xf32, #tpu.memory_space<hbm>> -> memref<128x128xf32, #tpu.memory_space<hbm>>
      tpu.enqueue_dma source(%arg7 : memref<128x128xf32, #tpu.memory_space<vmem>>) target(%dma_start3A_29 : memref<128x128xf32, #tpu.memory_space<hbm>>) target_semaphore(%run_scoped3A : memref<!tpu.dma_semaphore, #tpu.memory_space<semaphore_mem>>)
      %dma_wait3A_30 = arith.constant 0 : i32
      %dma_wait3A_31 = tpu.memref_slice %arg4[%add3A_20, %dma_wait3A_30] : memref<131072x128xf32, #tpu.memory_space<hbm>> -> memref<128x128xf32, #tpu.memory_space<hbm>>
      %dma_wait3A_32 = arith.constant 0 : i32
      %dma_wait3A_33 = tpu.memref_slice %arg4[%add3A_20, %dma_wait3A_32] : memref<131072x128xf32, #tpu.memory_space<hbm>> -> memref<128x128xf32, #tpu.memory_space<hbm>>
      tpu.wait_dma2 semaphore(%run_scoped3A : memref<!tpu.dma_semaphore, #tpu.memory_space<semaphore_mem>>) src(%arg7 : memref<128x128xf32, #tpu.memory_space<vmem>>) dst(%dma_wait3A_33 : memref<128x128xf32, #tpu.memory_space<hbm>>)
      tpu.yield
    }) : () -> ()
    %dma_wait3A_21 = arith.constant 0 : i32
    %dma_wait3A_22 = arith.constant 0 : i32
    %dma_wait3A_23 = tpu.memref_slice %arg3[%dma_wait3A_21, %dma_wait3A_22] : memref<16384x128xf32, #tpu.memory_space<hbm>> -> memref<16384x128xf32, #tpu.memory_space<hbm>>
    tpu.wait_indirect_dma semaphore(%arg10 : memref<!tpu.dma_semaphore, #tpu.memory_space<semaphore_mem>>) src(%dma_wait3A_23 : memref<16384x128xf32, #tpu.memory_space<hbm>>) dst(%arg8 : memref<128x128xf32, #tpu.memory_space<vmem>>)
    %add3A_24 = arith.constant 3968 : i32
    %add3A_25 = arith.addi %mul3A_2, %add3A_24 : i32
    "tpu.region"() ({
      %run_scoped3A = tpu.sem_alloc : memref<!tpu.dma_semaphore, #tpu.memory_space<semaphore_mem>>
      %dma_start3A_26 = arith.constant 0 : i32
      %dma_start3A_27 = tpu.memref_slice %arg4[%add3A_25, %dma_start3A_26] : memref<131072x128xf32, #tpu.memory_space<hbm>> -> memref<128x128xf32, #tpu.memory_space<hbm>>
      %dma_start3A_28 = arith.constant 0 : i32
      %dma_start3A_29 = tpu.memref_slice %arg4[%add3A_25, %dma_start3A_28] : memref<131072x128xf32, #tpu.memory_space<hbm>> -> memref<128x128xf32, #tpu.memory_space<hbm>>
      tpu.enqueue_dma source(%arg8 : memref<128x128xf32, #tpu.memory_space<vmem>>) target(%dma_start3A_29 : memref<128x128xf32, #tpu.memory_space<hbm>>) target_semaphore(%run_scoped3A : memref<!tpu.dma_semaphore, #tpu.memory_space<semaphore_mem>>)
      %dma_wait3A_30 = arith.constant 0 : i32
      %dma_wait3A_31 = tpu.memref_slice %arg4[%add3A_25, %dma_wait3A_30] : memref<131072x128xf32, #tpu.memory_space<hbm>> -> memref<128x128xf32, #tpu.memory_space<hbm>>
      %dma_wait3A_32 = arith.constant 0 : i32
      %dma_wait3A_33 = tpu.memref_slice %arg4[%add3A_25, %dma_wait3A_32] : memref<131072x128xf32, #tpu.memory_space<hbm>> -> memref<128x128xf32, #tpu.memory_space<hbm>>
      tpu.wait_dma2 semaphore(%run_scoped3A : memref<!tpu.dma_semaphore, #tpu.memory_space<semaphore_mem>>) src(%arg8 : memref<128x128xf32, #tpu.memory_space<vmem>>) dst(%dma_wait3A_33 : memref<128x128xf32, #tpu.memory_space<hbm>>)
      tpu.yield
    }) : () -> ()
    return
  }
}

module attributes {stable_mosaic.version = 14 : i64} {
  func.func @_fps_body(%arg0: memref<8x3x2048xf32, #tpu.memory_space<vmem>>, %arg1: memref<8x3x512xf32, #tpu.memory_space<vmem>>) attributes {dimension_semantics = [], scalar_prefetch = 0 : i64, scratch_operands = 0 : i64, tpu.core_type = #tpu.core_type<tc>} {
    %get3A = arith.constant 0 : index
    %get3A_0 = arith.constant 0 : index
    %get3A_1 = arith.constant 0 : index
    %get3A_2 = vector.load %arg0[%get3A, %get3A_0, %get3A_1] : memref<8x3x2048xf32, #tpu.memory_space<vmem>>, vector<8x1x2048xf32>
    %get3A_3 = vector.shape_cast %get3A_2 : vector<8x1x2048xf32> to vector<8x2048xf32>
    %get3A_4 = arith.constant 0 : index
    %get3A_5 = arith.constant 1 : index
    %get3A_6 = arith.constant 0 : index
    %get3A_7 = vector.load %arg0[%get3A_4, %get3A_5, %get3A_6] : memref<8x3x2048xf32, #tpu.memory_space<vmem>>, vector<8x1x2048xf32>
    %get3A_8 = vector.shape_cast %get3A_7 : vector<8x1x2048xf32> to vector<8x2048xf32>
    %get3A_9 = arith.constant 0 : index
    %get3A_10 = arith.constant 2 : index
    %get3A_11 = arith.constant 0 : index
    %get3A_12 = vector.load %arg0[%get3A_9, %get3A_10, %get3A_11] : memref<8x3x2048xf32, #tpu.memory_space<vmem>>, vector<8x1x2048xf32>
    %get3A_13 = vector.shape_cast %get3A_12 : vector<8x1x2048xf32> to vector<8x2048xf32>
    %iota3A = tpu.iota {dimensions = array<i32: 1>} : vector<8x2048xi32>
    %iota3A_14 = tpu.iota {dimensions = array<i32: 1>} : vector<8x512xi32>
    %broadcast_in_dim3A = arith.constant 1.000000e+10 : f32
    %broadcast_in_dim3A_15 = vector.broadcast %broadcast_in_dim3A : f32 to vector<8x2048xf32>
    %broadcast_in_dim3A_16 = arith.constant 0.000000e+00 : f32
    %broadcast_in_dim3A_17 = vector.broadcast %broadcast_in_dim3A_16 : f32 to vector<8x512xf32>
    %slice3A = vector.extract_strided_slice %get3A_3 {offsets = [0, 0], sizes = [8, 1], strides = [1, 1]} : vector<8x2048xf32> to vector<8x1xf32>
    %slice3A_18 = vector.extract_strided_slice %get3A_8 {offsets = [0, 0], sizes = [8, 1], strides = [1, 1]} : vector<8x2048xf32> to vector<8x1xf32>
    %slice3A_19 = vector.extract_strided_slice %get3A_13 {offsets = [0, 0], sizes = [8, 1], strides = [1, 1]} : vector<8x2048xf32> to vector<8x1xf32>
    %scan3A = arith.constant 0 : i32
    %scan3A_20 = arith.constant 512 : i32
    %scan3A_21 = arith.addi %scan3A, %scan3A_20 : i32
    %scan3A_22 = arith.constant 1 : i32
    %scan3A_23:7 = scf.for %scan3A_42 = %scan3A to %scan3A_21 step %scan3A_22 iter_args(%scan3A_43 = %broadcast_in_dim3A_15, %scan3A_44 = %slice3A, %scan3A_45 = %slice3A_18, %scan3A_46 = %slice3A_19, %scan3A_47 = %broadcast_in_dim3A_17, %scan3A_48 = %broadcast_in_dim3A_17, %scan3A_49 = %broadcast_in_dim3A_17) -> (vector<8x2048xf32>, vector<8x1xf32>, vector<8x1xf32>, vector<8x1xf32>, vector<8x512xf32>, vector<8x512xf32>, vector<8x512xf32>)  : i32 {
      %eq3A = vector.broadcast %scan3A_42 : i32 to vector<8x512xi32>
      %eq3A_50 = arith.cmpi eq, %iota3A_14, %eq3A : vector<8x512xi32>
      %jit3A = arith.constant 0.000000e+00 : f32
      %broadcast_in_dim3A_51 = vector.shape_cast %scan3A_44 : vector<8x1xf32> to vector<8x1xf32>
      %broadcast_in_dim3A_52 = vector.broadcast %broadcast_in_dim3A_51 : vector<8x1xf32> to vector<8x512xf32>
      %broadcast_in_dim3A_53 = vector.broadcast %jit3A : f32 to vector<8x512xf32>
      %select_n3A = arith.select %eq3A_50, %broadcast_in_dim3A_52, %broadcast_in_dim3A_53 : vector<8x512xi1>, vector<8x512xf32>
      %add3A = arith.addf %scan3A_47, %select_n3A : vector<8x512xf32>
      %jit3A_54 = arith.constant 0.000000e+00 : f32
      %broadcast_in_dim3A_55 = vector.shape_cast %scan3A_45 : vector<8x1xf32> to vector<8x1xf32>
      %broadcast_in_dim3A_56 = vector.broadcast %broadcast_in_dim3A_55 : vector<8x1xf32> to vector<8x512xf32>
      %broadcast_in_dim3A_57 = vector.broadcast %jit3A_54 : f32 to vector<8x512xf32>
      %select_n3A_58 = arith.select %eq3A_50, %broadcast_in_dim3A_56, %broadcast_in_dim3A_57 : vector<8x512xi1>, vector<8x512xf32>
      %add3A_59 = arith.addf %scan3A_48, %select_n3A_58 : vector<8x512xf32>
      %jit3A_60 = arith.constant 0.000000e+00 : f32
      %broadcast_in_dim3A_61 = vector.shape_cast %scan3A_46 : vector<8x1xf32> to vector<8x1xf32>
      %broadcast_in_dim3A_62 = vector.broadcast %broadcast_in_dim3A_61 : vector<8x1xf32> to vector<8x512xf32>
      %broadcast_in_dim3A_63 = vector.broadcast %jit3A_60 : f32 to vector<8x512xf32>
      %select_n3A_64 = arith.select %eq3A_50, %broadcast_in_dim3A_62, %broadcast_in_dim3A_63 : vector<8x512xi1>, vector<8x512xf32>
      %add3A_65 = arith.addf %scan3A_49, %select_n3A_64 : vector<8x512xf32>
      %sub3A = vector.broadcast %scan3A_44 : vector<8x1xf32> to vector<8x2048xf32>
      %sub3A_66 = arith.subf %get3A_3, %sub3A : vector<8x2048xf32>
      %sub3A_67 = vector.broadcast %scan3A_45 : vector<8x1xf32> to vector<8x2048xf32>
      %sub3A_68 = arith.subf %get3A_8, %sub3A_67 : vector<8x2048xf32>
      %sub3A_69 = vector.broadcast %scan3A_46 : vector<8x1xf32> to vector<8x2048xf32>
      %sub3A_70 = arith.subf %get3A_13, %sub3A_69 : vector<8x2048xf32>
      %mul3A = arith.mulf %sub3A_66, %sub3A_66 : vector<8x2048xf32>
      %mul3A_71 = arith.mulf %sub3A_68, %sub3A_68 : vector<8x2048xf32>
      %add3A_72 = arith.addf %mul3A, %mul3A_71 : vector<8x2048xf32>
      %mul3A_73 = arith.mulf %sub3A_70, %sub3A_70 : vector<8x2048xf32>
      %add3A_74 = arith.addf %add3A_72, %mul3A_73 : vector<8x2048xf32>
      %min3A = arith.minimumf %scan3A_43, %add3A_74 : vector<8x2048xf32>
      %reduce_max3A = arith.constant dense<0xFF800000> : vector<8xf32>
      %reduce_max3A_75 = vector.multi_reduction <maximumf>, %min3A, %reduce_max3A [1] : vector<8x2048xf32> to vector<8xf32>
      %broadcast_in_dim3A_76 = vector.shape_cast %reduce_max3A_75 : vector<8xf32> to vector<8x1xf32>
      %eq3A_77 = vector.broadcast %broadcast_in_dim3A_76 : vector<8x1xf32> to vector<8x2048xf32>
      %eq3A_78 = arith.cmpf oeq, %min3A, %eq3A_77 : vector<8x2048xf32>
      %jit3A_79 = arith.constant 2048 : i32
      %broadcast_in_dim3A_80 = vector.broadcast %jit3A_79 : i32 to vector<8x2048xi32>
      %select_n3A_81 = arith.select %eq3A_78, %iota3A, %broadcast_in_dim3A_80 : vector<8x2048xi1>, vector<8x2048xi32>
      %reduce_min3A = arith.constant dense<2147483647> : vector<8xi32>
      %reduce_min3A_82 = vector.multi_reduction <minsi>, %select_n3A_81, %reduce_min3A [1] : vector<8x2048xi32> to vector<8xi32>
      %broadcast_in_dim3A_83 = vector.shape_cast %reduce_min3A_82 : vector<8xi32> to vector<8x1xi32>
      %eq3A_84 = vector.broadcast %broadcast_in_dim3A_83 : vector<8x1xi32> to vector<8x2048xi32>
      %eq3A_85 = arith.cmpi eq, %iota3A, %eq3A_84 : vector<8x2048xi32>
      %jit3A_86 = arith.constant 0.000000e+00 : f32
      %broadcast_in_dim3A_87 = vector.broadcast %jit3A_86 : f32 to vector<8x2048xf32>
      %select_n3A_88 = arith.select %eq3A_85, %get3A_3, %broadcast_in_dim3A_87 : vector<8x2048xi1>, vector<8x2048xf32>
      %reduce_sum3A = arith.constant dense<0.000000e+00> : vector<8xf32>
      %reduce_sum3A_89 = vector.multi_reduction <add>, %select_n3A_88, %reduce_sum3A [1] : vector<8x2048xf32> to vector<8xf32>
      %broadcast_in_dim3A_90 = vector.shape_cast %reduce_sum3A_89 : vector<8xf32> to vector<8x1xf32>
      %jit3A_91 = arith.constant 0.000000e+00 : f32
      %broadcast_in_dim3A_92 = vector.broadcast %jit3A_91 : f32 to vector<8x2048xf32>
      %select_n3A_93 = arith.select %eq3A_85, %get3A_8, %broadcast_in_dim3A_92 : vector<8x2048xi1>, vector<8x2048xf32>
      %reduce_sum3A_94 = arith.constant dense<0.000000e+00> : vector<8xf32>
      %reduce_sum3A_95 = vector.multi_reduction <add>, %select_n3A_93, %reduce_sum3A_94 [1] : vector<8x2048xf32> to vector<8xf32>
      %broadcast_in_dim3A_96 = vector.shape_cast %reduce_sum3A_95 : vector<8xf32> to vector<8x1xf32>
      %jit3A_97 = arith.constant 0.000000e+00 : f32
      %broadcast_in_dim3A_98 = vector.broadcast %jit3A_97 : f32 to vector<8x2048xf32>
      %select_n3A_99 = arith.select %eq3A_85, %get3A_13, %broadcast_in_dim3A_98 : vector<8x2048xi1>, vector<8x2048xf32>
      %reduce_sum3A_100 = arith.constant dense<0.000000e+00> : vector<8xf32>
      %reduce_sum3A_101 = vector.multi_reduction <add>, %select_n3A_99, %reduce_sum3A_100 [1] : vector<8x2048xf32> to vector<8xf32>
      %broadcast_in_dim3A_102 = vector.shape_cast %reduce_sum3A_101 : vector<8xf32> to vector<8x1xf32>
      scf.yield %min3A, %broadcast_in_dim3A_90, %broadcast_in_dim3A_96, %broadcast_in_dim3A_102, %add3A, %add3A_59, %add3A_65 : vector<8x2048xf32>, vector<8x1xf32>, vector<8x1xf32>, vector<8x1xf32>, vector<8x512xf32>, vector<8x512xf32>, vector<8x512xf32>
    }
    %scan3A_24 = arith.constant 512 : i32
    %swap3A = arith.constant 0 : index
    %swap3A_25 = arith.constant 0 : index
    %swap3A_26 = arith.constant 0 : index
    %swap3A_27 = vector.load %arg1[%swap3A, %swap3A_25, %swap3A_26] : memref<8x3x512xf32, #tpu.memory_space<vmem>>, vector<8x1x512xf32>
    %swap3A_28 = vector.shape_cast %swap3A_27 : vector<8x1x512xf32> to vector<8x512xf32>
    %swap3A_29 = vector.shape_cast %scan3A_23#4 : vector<8x512xf32> to vector<8x1x512xf32>
    tpu.vector_store %arg1[%swap3A, %swap3A_25, %swap3A_26], %swap3A_29 {strides = array<i32>} : memref<8x3x512xf32, #tpu.memory_space<vmem>>, vector<8x1x512xf32>,
    %swap3A_30 = arith.constant 0 : index
    %swap3A_31 = arith.constant 1 : index
    %swap3A_32 = arith.constant 0 : index
    %swap3A_33 = vector.load %arg1[%swap3A_30, %swap3A_31, %swap3A_32] : memref<8x3x512xf32, #tpu.memory_space<vmem>>, vector<8x1x512xf32>
    %swap3A_34 = vector.shape_cast %swap3A_33 : vector<8x1x512xf32> to vector<8x512xf32>
    %swap3A_35 = vector.shape_cast %scan3A_23#5 : vector<8x512xf32> to vector<8x1x512xf32>
    tpu.vector_store %arg1[%swap3A_30, %swap3A_31, %swap3A_32], %swap3A_35 {strides = array<i32>} : memref<8x3x512xf32, #tpu.memory_space<vmem>>, vector<8x1x512xf32>,
    %swap3A_36 = arith.constant 0 : index
    %swap3A_37 = arith.constant 2 : index
    %swap3A_38 = arith.constant 0 : index
    %swap3A_39 = vector.load %arg1[%swap3A_36, %swap3A_37, %swap3A_38] : memref<8x3x512xf32, #tpu.memory_space<vmem>>, vector<8x1x512xf32>
    %swap3A_40 = vector.shape_cast %swap3A_39 : vector<8x1x512xf32> to vector<8x512xf32>
    %swap3A_41 = vector.shape_cast %scan3A_23#6 : vector<8x512xf32> to vector<8x1x512xf32>
    tpu.vector_store %arg1[%swap3A_36, %swap3A_37, %swap3A_38], %swap3A_41 {strides = array<i32>} : memref<8x3x512xf32, #tpu.memory_space<vmem>>, vector<8x1x512xf32>,
    return
  }
}

module attributes {stable_mosaic.version = 14 : i64} {
  func.func @_select_body(%arg0: i32, %arg1: memref<1x3x2048xf32, #tpu.memory_space<vmem>>, %arg2: memref<1x3x512xf32, #tpu.memory_space<vmem>>, %arg3: memref<1x512x32xi32, #tpu.memory_space<vmem>>) attributes {dimension_semantics = [#tpu.dimension_semantics<arbitrary>], iteration_bounds = array<i64: 8>, scalar_prefetch = 0 : i64, scratch_operands = 0 : i64, tpu.core_type = #tpu.core_type<tc>, window_params = [{transform_indices = @transform_0, window_bounds = array<i64: 1, 3, 2048>}, {transform_indices = @transform_1, window_bounds = array<i64: 1, 3, 512>}, {transform_indices = @transform_2, window_bounds = array<i64: 1, 512, 32>}]} {
    %get3A = arith.constant 0 : index
    %get3A_0 = arith.constant 0 : index
    %get3A_1 = arith.constant 0 : index
    %get3A_2 = vector.load %arg1[%get3A, %get3A_0, %get3A_1] : memref<1x3x2048xf32, #tpu.memory_space<vmem>>, vector<1x1x2048xf32>
    %get3A_3 = vector.shape_cast %get3A_2 : vector<1x1x2048xf32> to vector<2048xf32>
    %get3A_4 = arith.constant 0 : index
    %get3A_5 = arith.constant 1 : index
    %get3A_6 = arith.constant 0 : index
    %get3A_7 = vector.load %arg1[%get3A_4, %get3A_5, %get3A_6] : memref<1x3x2048xf32, #tpu.memory_space<vmem>>, vector<1x1x2048xf32>
    %get3A_8 = vector.shape_cast %get3A_7 : vector<1x1x2048xf32> to vector<2048xf32>
    %get3A_9 = arith.constant 0 : index
    %get3A_10 = arith.constant 2 : index
    %get3A_11 = arith.constant 0 : index
    %get3A_12 = vector.load %arg1[%get3A_9, %get3A_10, %get3A_11] : memref<1x3x2048xf32, #tpu.memory_space<vmem>>, vector<1x1x2048xf32>
    %get3A_13 = vector.shape_cast %get3A_12 : vector<1x1x2048xf32> to vector<2048xf32>
    %get3A_14 = arith.constant 0 : index
    %get3A_15 = arith.constant 0 : index
    %get3A_16 = arith.constant 0 : index
    %get3A_17 = vector.load %arg2[%get3A_14, %get3A_15, %get3A_16] : memref<1x3x512xf32, #tpu.memory_space<vmem>>, vector<1x1x512xf32>
    %get3A_18 = vector.shape_cast %get3A_17 : vector<1x1x512xf32> to vector<512xf32>
    %get3A_19 = arith.constant 0 : index
    %get3A_20 = arith.constant 1 : index
    %get3A_21 = arith.constant 0 : index
    %get3A_22 = vector.load %arg2[%get3A_19, %get3A_20, %get3A_21] : memref<1x3x512xf32, #tpu.memory_space<vmem>>, vector<1x1x512xf32>
    %get3A_23 = vector.shape_cast %get3A_22 : vector<1x1x512xf32> to vector<512xf32>
    %get3A_24 = arith.constant 0 : index
    %get3A_25 = arith.constant 2 : index
    %get3A_26 = arith.constant 0 : index
    %get3A_27 = vector.load %arg2[%get3A_24, %get3A_25, %get3A_26] : memref<1x3x512xf32, #tpu.memory_space<vmem>>, vector<1x1x512xf32>
    %get3A_28 = vector.shape_cast %get3A_27 : vector<1x1x512xf32> to vector<512xf32>
    %broadcast_in_dim3A = vector.shape_cast %get3A_18 : vector<512xf32> to vector<512x1xf32>
    %broadcast_in_dim3A_29 = vector.shape_cast %get3A_3 : vector<2048xf32> to vector<1x2048xf32>
    %sub3A = vector.broadcast %broadcast_in_dim3A : vector<512x1xf32> to vector<512x2048xf32>
    %sub3A_30 = vector.broadcast %broadcast_in_dim3A_29 : vector<1x2048xf32> to vector<512x2048xf32>
    %sub3A_31 = arith.subf %sub3A, %sub3A_30 : vector<512x2048xf32>
    %broadcast_in_dim3A_32 = vector.shape_cast %get3A_23 : vector<512xf32> to vector<512x1xf32>
    %broadcast_in_dim3A_33 = vector.shape_cast %get3A_8 : vector<2048xf32> to vector<1x2048xf32>
    %sub3A_34 = vector.broadcast %broadcast_in_dim3A_32 : vector<512x1xf32> to vector<512x2048xf32>
    %sub3A_35 = vector.broadcast %broadcast_in_dim3A_33 : vector<1x2048xf32> to vector<512x2048xf32>
    %sub3A_36 = arith.subf %sub3A_34, %sub3A_35 : vector<512x2048xf32>
    %broadcast_in_dim3A_37 = vector.shape_cast %get3A_28 : vector<512xf32> to vector<512x1xf32>
    %broadcast_in_dim3A_38 = vector.shape_cast %get3A_13 : vector<2048xf32> to vector<1x2048xf32>
    %sub3A_39 = vector.broadcast %broadcast_in_dim3A_37 : vector<512x1xf32> to vector<512x2048xf32>
    %sub3A_40 = vector.broadcast %broadcast_in_dim3A_38 : vector<1x2048xf32> to vector<512x2048xf32>
    %sub3A_41 = arith.subf %sub3A_39, %sub3A_40 : vector<512x2048xf32>
    %mul3A = arith.mulf %sub3A_31, %sub3A_31 : vector<512x2048xf32>
    %mul3A_42 = arith.mulf %sub3A_36, %sub3A_36 : vector<512x2048xf32>
    %add3A = arith.addf %mul3A, %mul3A_42 : vector<512x2048xf32>
    %mul3A_43 = arith.mulf %sub3A_41, %sub3A_41 : vector<512x2048xf32>
    %add3A_44 = arith.addf %add3A, %mul3A_43 : vector<512x2048xf32>
    %le3A = arith.constant 1.600000e-01 : f32
    %le3A_45 = vector.broadcast %le3A : f32 to vector<512x2048xf32>
    %le3A_46 = arith.cmpf ole, %add3A_44, %le3A_45 : vector<512x2048xf32>
    %jit3A = arith.constant 1.000000e+00 : f32
    %jit3A_47 = arith.constant 0.000000e+00 : f32
    %broadcast_in_dim3A_48 = vector.broadcast %jit3A : f32 to vector<512x2048xf32>
    %broadcast_in_dim3A_49 = vector.broadcast %jit3A_47 : f32 to vector<512x2048xf32>
    %select_n3A = arith.select %le3A_46, %broadcast_in_dim3A_48, %broadcast_in_dim3A_49 : vector<512x2048xi1>, vector<512x2048xf32>
    %iota3A = tpu.iota {dimensions = array<i32: 0>} : vector<2048x128xi32>
    %iota3A_50 = tpu.iota {dimensions = array<i32: 1>} : vector<2048x128xi32>
    %shift_right_arithmetic3A = arith.constant 4 : i32
    %shift_right_arithmetic3A_51 = vector.broadcast %shift_right_arithmetic3A : i32 to vector<2048x128xi32>
    %shift_right_arithmetic3A_52 = arith.shrsi %iota3A, %shift_right_arithmetic3A_51 : vector<2048x128xi32>
    %eq3A = arith.cmpi eq, %shift_right_arithmetic3A_52, %iota3A_50 : vector<2048x128xi32>
    %and3A = arith.constant 15 : i32
    %and3A_53 = vector.broadcast %and3A : i32 to vector<2048x128xi32>
    %and3A_54 = arith.andi %iota3A, %and3A_53 : vector<2048x128xi32>
    %shift_left3A = arith.constant 1 : i32
    %shift_left3A_55 = vector.broadcast %shift_left3A : i32 to vector<2048x128xi32>
    %shift_left3A_56 = arith.shli %shift_left3A_55, %and3A_54 : vector<2048x128xi32>
    %jit3A_57 = arith.constant 0 : i32
    %broadcast_in_dim3A_58 = vector.broadcast %jit3A_57 : i32 to vector<2048x128xi32>
    %select_n3A_59 = arith.select %eq3A, %shift_left3A_56, %broadcast_in_dim3A_58 : vector<2048x128xi1>, vector<2048x128xi32>
    %convert_element_type3A = arith.sitofp %select_n3A_59 : vector<2048x128xi32> to vector<2048x128xf32>
    %dot_general3A = arith.constant dense<0.000000e+00> : vector<512x128xf32>
    %dot_general3A_60 = tpu.matmul %select_n3A, %convert_element_type3A, %dot_general3A {dimension_numbers = #tpu.dot_dimension_numbers<[1], [0], [0], [1], [0, 0, 1, 1], [], []>, transpose_lhs_hint = false} : vector<512x2048xf32>, vector<2048x128xf32>, vector<512x128xf32> -> vector<512x128xf32>
    %convert_element_type3A_61 = arith.fptosi %dot_general3A_60 : vector<512x128xf32> to vector<512x128xi32>
    %iota3A_62 = tpu.iota {dimensions = array<i32: 1>} : vector<512x128xi32>
    %mul3A_63 = arith.constant 2048 : i32
    %mul3A_64 = arith.muli %arg0, %mul3A_63 : i32
    %ne3A = arith.constant 0 : i32
    %ne3A_65 = vector.broadcast %ne3A : i32 to vector<512x128xi32>
    %ne3A_66 = arith.cmpi ne, %convert_element_type3A_61, %ne3A_65 : vector<512x128xi32>
    %jit3A_67 = arith.constant 128 : i32
    %broadcast_in_dim3A_68 = vector.broadcast %jit3A_67 : i32 to vector<512x128xi32>
    %select_n3A_69 = arith.select %ne3A_66, %iota3A_62, %broadcast_in_dim3A_68 : vector<512x128xi1>, vector<512x128xi32>
    %reduce_min3A = arith.constant dense<2147483647> : vector<512xi32>
    %reduce_min3A_70 = vector.multi_reduction <minsi>, %select_n3A_69, %reduce_min3A [1] : vector<512x128xi32> to vector<512xi32>
    %broadcast_in_dim3A_71 = vector.shape_cast %reduce_min3A_70 : vector<512xi32> to vector<512x1xi32>
    %eq3A_72 = vector.broadcast %broadcast_in_dim3A_71 : vector<512x1xi32> to vector<512x128xi32>
    %eq3A_73 = arith.cmpi eq, %iota3A_62, %eq3A_72 : vector<512x128xi32>
    %jit3A_74 = arith.constant 0 : i32
    %broadcast_in_dim3A_75 = vector.broadcast %jit3A_74 : i32 to vector<512x128xi32>
    %select_n3A_76 = arith.select %eq3A_73, %convert_element_type3A_61, %broadcast_in_dim3A_75 : vector<512x128xi1>, vector<512x128xi32>
    %reduce_sum3A = arith.constant dense<0> : vector<512xi32>
    %reduce_sum3A_77 = vector.multi_reduction <add>, %select_n3A_76, %reduce_sum3A [1] : vector<512x128xi32> to vector<512xi32>
    %broadcast_in_dim3A_78 = vector.shape_cast %reduce_sum3A_77 : vector<512xi32> to vector<512x1xi32>
    %neg3A = arith.constant 0 : i32
    %neg3A_79 = vector.broadcast %neg3A : i32 to vector<512x1xi32>
    %neg3A_80 = arith.subi %neg3A_79, %broadcast_in_dim3A_78 : vector<512x1xi32>
    %and3A_81 = arith.andi %broadcast_in_dim3A_78, %neg3A_80 : vector<512x1xi32>
    %convert_element_type3A_82 = arith.sitofp %and3A_81 : vector<512x1xi32> to vector<512x1xf32>
    %bitcast_convert_type3A = tpu.bitcast %convert_element_type3A_82 : vector<512x1xf32> -> vector<512x1xi32>
    %shift_right_arithmetic3A_83 = arith.constant 23 : i32
    %shift_right_arithmetic3A_84 = vector.broadcast %shift_right_arithmetic3A_83 : i32 to vector<512x1xi32>
    %shift_right_arithmetic3A_85 = arith.shrsi %bitcast_convert_type3A, %shift_right_arithmetic3A_84 : vector<512x1xi32>
    %sub3A_86 = arith.constant 127 : i32
    %sub3A_87 = vector.broadcast %sub3A_86 : i32 to vector<512x1xi32>
    %sub3A_88 = arith.subi %shift_right_arithmetic3A_85, %sub3A_87 : vector<512x1xi32>
    %mul3A_89 = arith.constant 16 : i32
    %mul3A_90 = vector.broadcast %mul3A_89 : i32 to vector<512x1xi32>
    %mul3A_91 = arith.muli %broadcast_in_dim3A_71, %mul3A_90 : vector<512x1xi32>
    %add3A_92 = arith.addi %mul3A_91, %sub3A_88 : vector<512x1xi32>
    %lt3A = arith.constant 128 : i32
    %lt3A_93 = vector.broadcast %lt3A : i32 to vector<512x1xi32>
    %lt3A_94 = arith.cmpi slt, %broadcast_in_dim3A_71, %lt3A_93 : vector<512x1xi32>
    %jit3A_95 = arith.constant 0 : i32
    %broadcast_in_dim3A_96 = vector.broadcast %jit3A_95 : i32 to vector<512x1xi32>
    %select_n3A_97 = arith.select %lt3A_94, %add3A_92, %broadcast_in_dim3A_96 : vector<512x1xi1>, vector<512x1xi32>
    %select_n3A_98 = arith.select %lt3A_94, %add3A_92, %select_n3A_97 : vector<512x1xi1>, vector<512x1xi32>
    %add3A_99 = vector.broadcast %mul3A_64 : i32 to vector<512x1xi32>
    %add3A_100 = arith.addi %select_n3A_98, %add3A_99 : vector<512x1xi32>
    %xor3A = vector.broadcast %and3A_81 : vector<512x1xi32> to vector<512x128xi32>
    %xor3A_101 = arith.xori %convert_element_type3A_61, %xor3A : vector<512x128xi32>
    %select_n3A_102 = arith.select %eq3A_73, %xor3A_101, %convert_element_type3A_61 : vector<512x128xi1>, vector<512x128xi32>
    %ne3A_103 = arith.constant 0 : i32
    %ne3A_104 = vector.broadcast %ne3A_103 : i32 to vector<512x128xi32>
    %ne3A_105 = arith.cmpi ne, %select_n3A_102, %ne3A_104 : vector<512x128xi32>
    %jit3A_106 = arith.constant 128 : i32
    %broadcast_in_dim3A_107 = vector.broadcast %jit3A_106 : i32 to vector<512x128xi32>
    %select_n3A_108 = arith.select %ne3A_105, %iota3A_62, %broadcast_in_dim3A_107 : vector<512x128xi1>, vector<512x128xi32>
    %reduce_min3A_109 = arith.constant dense<2147483647> : vector<512xi32>
    %reduce_min3A_110 = vector.multi_reduction <minsi>, %select_n3A_108, %reduce_min3A_109 [1] : vector<512x128xi32> to vector<512xi32>
    %broadcast_in_dim3A_111 = vector.shape_cast %reduce_min3A_110 : vector<512xi32> to vector<512x1xi32>
    %eq3A_112 = vector.broadcast %broadcast_in_dim3A_111 : vector<512x1xi32> to vector<512x128xi32>
    %eq3A_113 = arith.cmpi eq, %iota3A_62, %eq3A_112 : vector<512x128xi32>
    %jit3A_114 = arith.constant 0 : i32
    %broadcast_in_dim3A_115 = vector.broadcast %jit3A_114 : i32 to vector<512x128xi32>
    %select_n3A_116 = arith.select %eq3A_113, %select_n3A_102, %broadcast_in_dim3A_115 : vector<512x128xi1>, vector<512x128xi32>
    %reduce_sum3A_117 = arith.constant dense<0> : vector<512xi32>
    %reduce_sum3A_118 = vector.multi_reduction <add>, %select_n3A_116, %reduce_sum3A_117 [1] : vector<512x128xi32> to vector<512xi32>
    %broadcast_in_dim3A_119 = vector.shape_cast %reduce_sum3A_118 : vector<512xi32> to vector<512x1xi32>
    %neg3A_120 = arith.constant 0 : i32
    %neg3A_121 = vector.broadcast %neg3A_120 : i32 to vector<512x1xi32>
    %neg3A_122 = arith.subi %neg3A_121, %broadcast_in_dim3A_119 : vector<512x1xi32>
    %and3A_123 = arith.andi %broadcast_in_dim3A_119, %neg3A_122 : vector<512x1xi32>
    %convert_element_type3A_124 = arith.sitofp %and3A_123 : vector<512x1xi32> to vector<512x1xf32>
    %bitcast_convert_type3A_125 = tpu.bitcast %convert_element_type3A_124 : vector<512x1xf32> -> vector<512x1xi32>
    %shift_right_arithmetic3A_126 = arith.constant 23 : i32
    %shift_right_arithmetic3A_127 = vector.broadcast %shift_right_arithmetic3A_126 : i32 to vector<512x1xi32>
    %shift_right_arithmetic3A_128 = arith.shrsi %bitcast_convert_type3A_125, %shift_right_arithmetic3A_127 : vector<512x1xi32>
    %sub3A_129 = arith.constant 127 : i32
    %sub3A_130 = vector.broadcast %sub3A_129 : i32 to vector<512x1xi32>
    %sub3A_131 = arith.subi %shift_right_arithmetic3A_128, %sub3A_130 : vector<512x1xi32>
    %mul3A_132 = arith.constant 16 : i32
    %mul3A_133 = vector.broadcast %mul3A_132 : i32 to vector<512x1xi32>
    %mul3A_134 = arith.muli %broadcast_in_dim3A_111, %mul3A_133 : vector<512x1xi32>
    %add3A_135 = arith.addi %mul3A_134, %sub3A_131 : vector<512x1xi32>
    %lt3A_136 = arith.constant 128 : i32
    %lt3A_137 = vector.broadcast %lt3A_136 : i32 to vector<512x1xi32>
    %lt3A_138 = arith.cmpi slt, %broadcast_in_dim3A_111, %lt3A_137 : vector<512x1xi32>
    %select_n3A_139 = arith.select %lt3A_138, %add3A_135, %select_n3A_97 : vector<512x1xi1>, vector<512x1xi32>
    %add3A_140 = vector.broadcast %mul3A_64 : i32 to vector<512x1xi32>
    %add3A_141 = arith.addi %select_n3A_139, %add3A_140 : vector<512x1xi32>
    %xor3A_142 = vector.broadcast %and3A_123 : vector<512x1xi32> to vector<512x128xi32>
    %xor3A_143 = arith.xori %select_n3A_102, %xor3A_142 : vector<512x128xi32>
    %select_n3A_144 = arith.select %eq3A_113, %xor3A_143, %select_n3A_102 : vector<512x128xi1>, vector<512x128xi32>
    %ne3A_145 = arith.constant 0 : i32
    %ne3A_146 = vector.broadcast %ne3A_145 : i32 to vector<512x128xi32>
    %ne3A_147 = arith.cmpi ne, %select_n3A_144, %ne3A_146 : vector<512x128xi32>
    %jit3A_148 = arith.constant 128 : i32
    %broadcast_in_dim3A_149 = vector.broadcast %jit3A_148 : i32 to vector<512x128xi32>
    %select_n3A_150 = arith.select %ne3A_147, %iota3A_62, %broadcast_in_dim3A_149 : vector<512x128xi1>, vector<512x128xi32>
    %reduce_min3A_151 = arith.constant dense<2147483647> : vector<512xi32>
    %reduce_min3A_152 = vector.multi_reduction <minsi>, %select_n3A_150, %reduce_min3A_151 [1] : vector<512x128xi32> to vector<512xi32>
    %broadcast_in_dim3A_153 = vector.shape_cast %reduce_min3A_152 : vector<512xi32> to vector<512x1xi32>
    %eq3A_154 = vector.broadcast %broadcast_in_dim3A_153 : vector<512x1xi32> to vector<512x128xi32>
    %eq3A_155 = arith.cmpi eq, %iota3A_62, %eq3A_154 : vector<512x128xi32>
    %jit3A_156 = arith.constant 0 : i32
    %broadcast_in_dim3A_157 = vector.broadcast %jit3A_156 : i32 to vector<512x128xi32>
    %select_n3A_158 = arith.select %eq3A_155, %select_n3A_144, %broadcast_in_dim3A_157 : vector<512x128xi1>, vector<512x128xi32>
    %reduce_sum3A_159 = arith.constant dense<0> : vector<512xi32>
    %reduce_sum3A_160 = vector.multi_reduction <add>, %select_n3A_158, %reduce_sum3A_159 [1] : vector<512x128xi32> to vector<512xi32>
    %broadcast_in_dim3A_161 = vector.shape_cast %reduce_sum3A_160 : vector<512xi32> to vector<512x1xi32>
    %neg3A_162 = arith.constant 0 : i32
    %neg3A_163 = vector.broadcast %neg3A_162 : i32 to vector<512x1xi32>
    %neg3A_164 = arith.subi %neg3A_163, %broadcast_in_dim3A_161 : vector<512x1xi32>
    %and3A_165 = arith.andi %broadcast_in_dim3A_161, %neg3A_164 : vector<512x1xi32>
    %convert_element_type3A_166 = arith.sitofp %and3A_165 : vector<512x1xi32> to vector<512x1xf32>
    %bitcast_convert_type3A_167 = tpu.bitcast %convert_element_type3A_166 : vector<512x1xf32> -> vector<512x1xi32>
    %shift_right_arithmetic3A_168 = arith.constant 23 : i32
    %shift_right_arithmetic3A_169 = vector.broadcast %shift_right_arithmetic3A_168 : i32 to vector<512x1xi32>
    %shift_right_arithmetic3A_170 = arith.shrsi %bitcast_convert_type3A_167, %shift_right_arithmetic3A_169 : vector<512x1xi32>
    %sub3A_171 = arith.constant 127 : i32
    %sub3A_172 = vector.broadcast %sub3A_171 : i32 to vector<512x1xi32>
    %sub3A_173 = arith.subi %shift_right_arithmetic3A_170, %sub3A_172 : vector<512x1xi32>
    %mul3A_174 = arith.constant 16 : i32
    %mul3A_175 = vector.broadcast %mul3A_174 : i32 to vector<512x1xi32>
    %mul3A_176 = arith.muli %broadcast_in_dim3A_153, %mul3A_175 : vector<512x1xi32>
    %add3A_177 = arith.addi %mul3A_176, %sub3A_173 : vector<512x1xi32>
    %lt3A_178 = arith.constant 128 : i32
    %lt3A_179 = vector.broadcast %lt3A_178 : i32 to vector<512x1xi32>
    %lt3A_180 = arith.cmpi slt, %broadcast_in_dim3A_153, %lt3A_179 : vector<512x1xi32>
    %select_n3A_181 = arith.select %lt3A_180, %add3A_177, %select_n3A_97 : vector<512x1xi1>, vector<512x1xi32>
    %add3A_182 = vector.broadcast %mul3A_64 : i32 to vector<512x1xi32>
    %add3A_183 = arith.addi %select_n3A_181, %add3A_182 : vector<512x1xi32>
    %xor3A_184 = vector.broadcast %and3A_165 : vector<512x1xi32> to vector<512x128xi32>
    %xor3A_185 = arith.xori %select_n3A_144, %xor3A_184 : vector<512x128xi32>
    %select_n3A_186 = arith.select %eq3A_155, %xor3A_185, %select_n3A_144 : vector<512x128xi1>, vector<512x128xi32>
    %ne3A_187 = arith.constant 0 : i32
    %ne3A_188 = vector.broadcast %ne3A_187 : i32 to vector<512x128xi32>
    %ne3A_189 = arith.cmpi ne, %select_n3A_186, %ne3A_188 : vector<512x128xi32>
    %jit3A_190 = arith.constant 128 : i32
    %broadcast_in_dim3A_191 = vector.broadcast %jit3A_190 : i32 to vector<512x128xi32>
    %select_n3A_192 = arith.select %ne3A_189, %iota3A_62, %broadcast_in_dim3A_191 : vector<512x128xi1>, vector<512x128xi32>
    %reduce_min3A_193 = arith.constant dense<2147483647> : vector<512xi32>
    %reduce_min3A_194 = vector.multi_reduction <minsi>, %select_n3A_192, %reduce_min3A_193 [1] : vector<512x128xi32> to vector<512xi32>
    %broadcast_in_dim3A_195 = vector.shape_cast %reduce_min3A_194 : vector<512xi32> to vector<512x1xi32>
    %eq3A_196 = vector.broadcast %broadcast_in_dim3A_195 : vector<512x1xi32> to vector<512x128xi32>
    %eq3A_197 = arith.cmpi eq, %iota3A_62, %eq3A_196 : vector<512x128xi32>
    %jit3A_198 = arith.constant 0 : i32
    %broadcast_in_dim3A_199 = vector.broadcast %jit3A_198 : i32 to vector<512x128xi32>
    %select_n3A_200 = arith.select %eq3A_197, %select_n3A_186, %broadcast_in_dim3A_199 : vector<512x128xi1>, vector<512x128xi32>
    %reduce_sum3A_201 = arith.constant dense<0> : vector<512xi32>
    %reduce_sum3A_202 = vector.multi_reduction <add>, %select_n3A_200, %reduce_sum3A_201 [1] : vector<512x128xi32> to vector<512xi32>
    %broadcast_in_dim3A_203 = vector.shape_cast %reduce_sum3A_202 : vector<512xi32> to vector<512x1xi32>
    %neg3A_204 = arith.constant 0 : i32
    %neg3A_205 = vector.broadcast %neg3A_204 : i32 to vector<512x1xi32>
    %neg3A_206 = arith.subi %neg3A_205, %broadcast_in_dim3A_203 : vector<512x1xi32>
    %and3A_207 = arith.andi %broadcast_in_dim3A_203, %neg3A_206 : vector<512x1xi32>
    %convert_element_type3A_208 = arith.sitofp %and3A_207 : vector<512x1xi32> to vector<512x1xf32>
    %bitcast_convert_type3A_209 = tpu.bitcast %convert_element_type3A_208 : vector<512x1xf32> -> vector<512x1xi32>
    %shift_right_arithmetic3A_210 = arith.constant 23 : i32
    %shift_right_arithmetic3A_211 = vector.broadcast %shift_right_arithmetic3A_210 : i32 to vector<512x1xi32>
    %shift_right_arithmetic3A_212 = arith.shrsi %bitcast_convert_type3A_209, %shift_right_arithmetic3A_211 : vector<512x1xi32>
    %sub3A_213 = arith.constant 127 : i32
    %sub3A_214 = vector.broadcast %sub3A_213 : i32 to vector<512x1xi32>
    %sub3A_215 = arith.subi %shift_right_arithmetic3A_212, %sub3A_214 : vector<512x1xi32>
    %mul3A_216 = arith.constant 16 : i32
    %mul3A_217 = vector.broadcast %mul3A_216 : i32 to vector<512x1xi32>
    %mul3A_218 = arith.muli %broadcast_in_dim3A_195, %mul3A_217 : vector<512x1xi32>
    %add3A_219 = arith.addi %mul3A_218, %sub3A_215 : vector<512x1xi32>
    %lt3A_220 = arith.constant 128 : i32
    %lt3A_221 = vector.broadcast %lt3A_220 : i32 to vector<512x1xi32>
    %lt3A_222 = arith.cmpi slt, %broadcast_in_dim3A_195, %lt3A_221 : vector<512x1xi32>
    %select_n3A_223 = arith.select %lt3A_222, %add3A_219, %select_n3A_97 : vector<512x1xi1>, vector<512x1xi32>
    %add3A_224 = vector.broadcast %mul3A_64 : i32 to vector<512x1xi32>
    %add3A_225 = arith.addi %select_n3A_223, %add3A_224 : vector<512x1xi32>
    %xor3A_226 = vector.broadcast %and3A_207 : vector<512x1xi32> to vector<512x128xi32>
    %xor3A_227 = arith.xori %select_n3A_186, %xor3A_226 : vector<512x128xi32>
    %select_n3A_228 = arith.select %eq3A_197, %xor3A_227, %select_n3A_186 : vector<512x128xi1>, vector<512x128xi32>
    %ne3A_229 = arith.constant 0 : i32
    %ne3A_230 = vector.broadcast %ne3A_229 : i32 to vector<512x128xi32>
    %ne3A_231 = arith.cmpi ne, %select_n3A_228, %ne3A_230 : vector<512x128xi32>
    %jit3A_232 = arith.constant 128 : i32
    %broadcast_in_dim3A_233 = vector.broadcast %jit3A_232 : i32 to vector<512x128xi32>
    %select_n3A_234 = arith.select %ne3A_231, %iota3A_62, %broadcast_in_dim3A_233 : vector<512x128xi1>, vector<512x128xi32>
    %reduce_min3A_235 = arith.constant dense<2147483647> : vector<512xi32>
    %reduce_min3A_236 = vector.multi_reduction <minsi>, %select_n3A_234, %reduce_min3A_235 [1] : vector<512x128xi32> to vector<512xi32>
    %broadcast_in_dim3A_237 = vector.shape_cast %reduce_min3A_236 : vector<512xi32> to vector<512x1xi32>
    %eq3A_238 = vector.broadcast %broadcast_in_dim3A_237 : vector<512x1xi32> to vector<512x128xi32>
    %eq3A_239 = arith.cmpi eq, %iota3A_62, %eq3A_238 : vector<512x128xi32>
    %jit3A_240 = arith.constant 0 : i32
    %broadcast_in_dim3A_241 = vector.broadcast %jit3A_240 : i32 to vector<512x128xi32>
    %select_n3A_242 = arith.select %eq3A_239, %select_n3A_228, %broadcast_in_dim3A_241 : vector<512x128xi1>, vector<512x128xi32>
    %reduce_sum3A_243 = arith.constant dense<0> : vector<512xi32>
    %reduce_sum3A_244 = vector.multi_reduction <add>, %select_n3A_242, %reduce_sum3A_243 [1] : vector<512x128xi32> to vector<512xi32>
    %broadcast_in_dim3A_245 = vector.shape_cast %reduce_sum3A_244 : vector<512xi32> to vector<512x1xi32>
    %neg3A_246 = arith.constant 0 : i32
    %neg3A_247 = vector.broadcast %neg3A_246 : i32 to vector<512x1xi32>
    %neg3A_248 = arith.subi %neg3A_247, %broadcast_in_dim3A_245 : vector<512x1xi32>
    %and3A_249 = arith.andi %broadcast_in_dim3A_245, %neg3A_248 : vector<512x1xi32>
    %convert_element_type3A_250 = arith.sitofp %and3A_249 : vector<512x1xi32> to vector<512x1xf32>
    %bitcast_convert_type3A_251 = tpu.bitcast %convert_element_type3A_250 : vector<512x1xf32> -> vector<512x1xi32>
    %shift_right_arithmetic3A_252 = arith.constant 23 : i32
    %shift_right_arithmetic3A_253 = vector.broadcast %shift_right_arithmetic3A_252 : i32 to vector<512x1xi32>
    %shift_right_arithmetic3A_254 = arith.shrsi %bitcast_convert_type3A_251, %shift_right_arithmetic3A_253 : vector<512x1xi32>
    %sub3A_255 = arith.constant 127 : i32
    %sub3A_256 = vector.broadcast %sub3A_255 : i32 to vector<512x1xi32>
    %sub3A_257 = arith.subi %shift_right_arithmetic3A_254, %sub3A_256 : vector<512x1xi32>
    %mul3A_258 = arith.constant 16 : i32
    %mul3A_259 = vector.broadcast %mul3A_258 : i32 to vector<512x1xi32>
    %mul3A_260 = arith.muli %broadcast_in_dim3A_237, %mul3A_259 : vector<512x1xi32>
    %add3A_261 = arith.addi %mul3A_260, %sub3A_257 : vector<512x1xi32>
    %lt3A_262 = arith.constant 128 : i32
    %lt3A_263 = vector.broadcast %lt3A_262 : i32 to vector<512x1xi32>
    %lt3A_264 = arith.cmpi slt, %broadcast_in_dim3A_237, %lt3A_263 : vector<512x1xi32>
    %select_n3A_265 = arith.select %lt3A_264, %add3A_261, %select_n3A_97 : vector<512x1xi1>, vector<512x1xi32>
    %add3A_266 = vector.broadcast %mul3A_64 : i32 to vector<512x1xi32>
    %add3A_267 = arith.addi %select_n3A_265, %add3A_266 : vector<512x1xi32>
    %xor3A_268 = vector.broadcast %and3A_249 : vector<512x1xi32> to vector<512x128xi32>
    %xor3A_269 = arith.xori %select_n3A_228, %xor3A_268 : vector<512x128xi32>
    %select_n3A_270 = arith.select %eq3A_239, %xor3A_269, %select_n3A_228 : vector<512x128xi1>, vector<512x128xi32>
    %ne3A_271 = arith.constant 0 : i32
    %ne3A_272 = vector.broadcast %ne3A_271 : i32 to vector<512x128xi32>
    %ne3A_273 = arith.cmpi ne, %select_n3A_270, %ne3A_272 : vector<512x128xi32>
    %jit3A_274 = arith.constant 128 : i32
    %broadcast_in_dim3A_275 = vector.broadcast %jit3A_274 : i32 to vector<512x128xi32>
    %select_n3A_276 = arith.select %ne3A_273, %iota3A_62, %broadcast_in_dim3A_275 : vector<512x128xi1>, vector<512x128xi32>
    %reduce_min3A_277 = arith.constant dense<2147483647> : vector<512xi32>
    %reduce_min3A_278 = vector.multi_reduction <minsi>, %select_n3A_276, %reduce_min3A_277 [1] : vector<512x128xi32> to vector<512xi32>
    %broadcast_in_dim3A_279 = vector.shape_cast %reduce_min3A_278 : vector<512xi32> to vector<512x1xi32>
    %eq3A_280 = vector.broadcast %broadcast_in_dim3A_279 : vector<512x1xi32> to vector<512x128xi32>
    %eq3A_281 = arith.cmpi eq, %iota3A_62, %eq3A_280 : vector<512x128xi32>
    %jit3A_282 = arith.constant 0 : i32
    %broadcast_in_dim3A_283 = vector.broadcast %jit3A_282 : i32 to vector<512x128xi32>
    %select_n3A_284 = arith.select %eq3A_281, %select_n3A_270, %broadcast_in_dim3A_283 : vector<512x128xi1>, vector<512x128xi32>
    %reduce_sum3A_285 = arith.constant dense<0> : vector<512xi32>
    %reduce_sum3A_286 = vector.multi_reduction <add>, %select_n3A_284, %reduce_sum3A_285 [1] : vector<512x128xi32> to vector<512xi32>
    %broadcast_in_dim3A_287 = vector.shape_cast %reduce_sum3A_286 : vector<512xi32> to vector<512x1xi32>
    %neg3A_288 = arith.constant 0 : i32
    %neg3A_289 = vector.broadcast %neg3A_288 : i32 to vector<512x1xi32>
    %neg3A_290 = arith.subi %neg3A_289, %broadcast_in_dim3A_287 : vector<512x1xi32>
    %and3A_291 = arith.andi %broadcast_in_dim3A_287, %neg3A_290 : vector<512x1xi32>
    %convert_element_type3A_292 = arith.sitofp %and3A_291 : vector<512x1xi32> to vector<512x1xf32>
    %bitcast_convert_type3A_293 = tpu.bitcast %convert_element_type3A_292 : vector<512x1xf32> -> vector<512x1xi32>
    %shift_right_arithmetic3A_294 = arith.constant 23 : i32
    %shift_right_arithmetic3A_295 = vector.broadcast %shift_right_arithmetic3A_294 : i32 to vector<512x1xi32>
    %shift_right_arithmetic3A_296 = arith.shrsi %bitcast_convert_type3A_293, %shift_right_arithmetic3A_295 : vector<512x1xi32>
    %sub3A_297 = arith.constant 127 : i32
    %sub3A_298 = vector.broadcast %sub3A_297 : i32 to vector<512x1xi32>
    %sub3A_299 = arith.subi %shift_right_arithmetic3A_296, %sub3A_298 : vector<512x1xi32>
    %mul3A_300 = arith.constant 16 : i32
    %mul3A_301 = vector.broadcast %mul3A_300 : i32 to vector<512x1xi32>
    %mul3A_302 = arith.muli %broadcast_in_dim3A_279, %mul3A_301 : vector<512x1xi32>
    %add3A_303 = arith.addi %mul3A_302, %sub3A_299 : vector<512x1xi32>
    %lt3A_304 = arith.constant 128 : i32
    %lt3A_305 = vector.broadcast %lt3A_304 : i32 to vector<512x1xi32>
    %lt3A_306 = arith.cmpi slt, %broadcast_in_dim3A_279, %lt3A_305 : vector<512x1xi32>
    %select_n3A_307 = arith.select %lt3A_306, %add3A_303, %select_n3A_97 : vector<512x1xi1>, vector<512x1xi32>
    %add3A_308 = vector.broadcast %mul3A_64 : i32 to vector<512x1xi32>
    %add3A_309 = arith.addi %select_n3A_307, %add3A_308 : vector<512x1xi32>
    %xor3A_310 = vector.broadcast %and3A_291 : vector<512x1xi32> to vector<512x128xi32>
    %xor3A_311 = arith.xori %select_n3A_270, %xor3A_310 : vector<512x128xi32>
    %select_n3A_312 = arith.select %eq3A_281, %xor3A_311, %select_n3A_270 : vector<512x128xi1>, vector<512x128xi32>
    %ne3A_313 = arith.constant 0 : i32
    %ne3A_314 = vector.broadcast %ne3A_313 : i32 to vector<512x128xi32>
    %ne3A_315 = arith.cmpi ne, %select_n3A_312, %ne3A_314 : vector<512x128xi32>
    %jit3A_316 = arith.constant 128 : i32
    %broadcast_in_dim3A_317 = vector.broadcast %jit3A_316 : i32 to vector<512x128xi32>
    %select_n3A_318 = arith.select %ne3A_315, %iota3A_62, %broadcast_in_dim3A_317 : vector<512x128xi1>, vector<512x128xi32>
    %reduce_min3A_319 = arith.constant dense<2147483647> : vector<512xi32>
    %reduce_min3A_320 = vector.multi_reduction <minsi>, %select_n3A_318, %reduce_min3A_319 [1] : vector<512x128xi32> to vector<512xi32>
    %broadcast_in_dim3A_321 = vector.shape_cast %reduce_min3A_320 : vector<512xi32> to vector<512x1xi32>
    %eq3A_322 = vector.broadcast %broadcast_in_dim3A_321 : vector<512x1xi32> to vector<512x128xi32>
    %eq3A_323 = arith.cmpi eq, %iota3A_62, %eq3A_322 : vector<512x128xi32>
    %jit3A_324 = arith.constant 0 : i32
    %broadcast_in_dim3A_325 = vector.broadcast %jit3A_324 : i32 to vector<512x128xi32>
    %select_n3A_326 = arith.select %eq3A_323, %select_n3A_312, %broadcast_in_dim3A_325 : vector<512x128xi1>, vector<512x128xi32>
    %reduce_sum3A_327 = arith.constant dense<0> : vector<512xi32>
    %reduce_sum3A_328 = vector.multi_reduction <add>, %select_n3A_326, %reduce_sum3A_327 [1] : vector<512x128xi32> to vector<512xi32>
    %broadcast_in_dim3A_329 = vector.shape_cast %reduce_sum3A_328 : vector<512xi32> to vector<512x1xi32>
    %neg3A_330 = arith.constant 0 : i32
    %neg3A_331 = vector.broadcast %neg3A_330 : i32 to vector<512x1xi32>
    %neg3A_332 = arith.subi %neg3A_331, %broadcast_in_dim3A_329 : vector<512x1xi32>
    %and3A_333 = arith.andi %broadcast_in_dim3A_329, %neg3A_332 : vector<512x1xi32>
    %convert_element_type3A_334 = arith.sitofp %and3A_333 : vector<512x1xi32> to vector<512x1xf32>
    %bitcast_convert_type3A_335 = tpu.bitcast %convert_element_type3A_334 : vector<512x1xf32> -> vector<512x1xi32>
    %shift_right_arithmetic3A_336 = arith.constant 23 : i32
    %shift_right_arithmetic3A_337 = vector.broadcast %shift_right_arithmetic3A_336 : i32 to vector<512x1xi32>
    %shift_right_arithmetic3A_338 = arith.shrsi %bitcast_convert_type3A_335, %shift_right_arithmetic3A_337 : vector<512x1xi32>
    %sub3A_339 = arith.constant 127 : i32
    %sub3A_340 = vector.broadcast %sub3A_339 : i32 to vector<512x1xi32>
    %sub3A_341 = arith.subi %shift_right_arithmetic3A_338, %sub3A_340 : vector<512x1xi32>
    %mul3A_342 = arith.constant 16 : i32
    %mul3A_343 = vector.broadcast %mul3A_342 : i32 to vector<512x1xi32>
    %mul3A_344 = arith.muli %broadcast_in_dim3A_321, %mul3A_343 : vector<512x1xi32>
    %add3A_345 = arith.addi %mul3A_344, %sub3A_341 : vector<512x1xi32>
    %lt3A_346 = arith.constant 128 : i32
    %lt3A_347 = vector.broadcast %lt3A_346 : i32 to vector<512x1xi32>
    %lt3A_348 = arith.cmpi slt, %broadcast_in_dim3A_321, %lt3A_347 : vector<512x1xi32>
    %select_n3A_349 = arith.select %lt3A_348, %add3A_345, %select_n3A_97 : vector<512x1xi1>, vector<512x1xi32>
    %add3A_350 = vector.broadcast %mul3A_64 : i32 to vector<512x1xi32>
    %add3A_351 = arith.addi %select_n3A_349, %add3A_350 : vector<512x1xi32>
    %xor3A_352 = vector.broadcast %and3A_333 : vector<512x1xi32> to vector<512x128xi32>
    %xor3A_353 = arith.xori %select_n3A_312, %xor3A_352 : vector<512x128xi32>
    %select_n3A_354 = arith.select %eq3A_323, %xor3A_353, %select_n3A_312 : vector<512x128xi1>, vector<512x128xi32>
    %ne3A_355 = arith.constant 0 : i32
    %ne3A_356 = vector.broadcast %ne3A_355 : i32 to vector<512x128xi32>
    %ne3A_357 = arith.cmpi ne, %select_n3A_354, %ne3A_356 : vector<512x128xi32>
    %jit3A_358 = arith.constant 128 : i32
    %broadcast_in_dim3A_359 = vector.broadcast %jit3A_358 : i32 to vector<512x128xi32>
    %select_n3A_360 = arith.select %ne3A_357, %iota3A_62, %broadcast_in_dim3A_359 : vector<512x128xi1>, vector<512x128xi32>
    %reduce_min3A_361 = arith.constant dense<2147483647> : vector<512xi32>
    %reduce_min3A_362 = vector.multi_reduction <minsi>, %select_n3A_360, %reduce_min3A_361 [1] : vector<512x128xi32> to vector<512xi32>
    %broadcast_in_dim3A_363 = vector.shape_cast %reduce_min3A_362 : vector<512xi32> to vector<512x1xi32>
    %eq3A_364 = vector.broadcast %broadcast_in_dim3A_363 : vector<512x1xi32> to vector<512x128xi32>
    %eq3A_365 = arith.cmpi eq, %iota3A_62, %eq3A_364 : vector<512x128xi32>
    %jit3A_366 = arith.constant 0 : i32
    %broadcast_in_dim3A_367 = vector.broadcast %jit3A_366 : i32 to vector<512x128xi32>
    %select_n3A_368 = arith.select %eq3A_365, %select_n3A_354, %broadcast_in_dim3A_367 : vector<512x128xi1>, vector<512x128xi32>
    %reduce_sum3A_369 = arith.constant dense<0> : vector<512xi32>
    %reduce_sum3A_370 = vector.multi_reduction <add>, %select_n3A_368, %reduce_sum3A_369 [1] : vector<512x128xi32> to vector<512xi32>
    %broadcast_in_dim3A_371 = vector.shape_cast %reduce_sum3A_370 : vector<512xi32> to vector<512x1xi32>
    %neg3A_372 = arith.constant 0 : i32
    %neg3A_373 = vector.broadcast %neg3A_372 : i32 to vector<512x1xi32>
    %neg3A_374 = arith.subi %neg3A_373, %broadcast_in_dim3A_371 : vector<512x1xi32>
    %and3A_375 = arith.andi %broadcast_in_dim3A_371, %neg3A_374 : vector<512x1xi32>
    %convert_element_type3A_376 = arith.sitofp %and3A_375 : vector<512x1xi32> to vector<512x1xf32>
    %bitcast_convert_type3A_377 = tpu.bitcast %convert_element_type3A_376 : vector<512x1xf32> -> vector<512x1xi32>
    %shift_right_arithmetic3A_378 = arith.constant 23 : i32
    %shift_right_arithmetic3A_379 = vector.broadcast %shift_right_arithmetic3A_378 : i32 to vector<512x1xi32>
    %shift_right_arithmetic3A_380 = arith.shrsi %bitcast_convert_type3A_377, %shift_right_arithmetic3A_379 : vector<512x1xi32>
    %sub3A_381 = arith.constant 127 : i32
    %sub3A_382 = vector.broadcast %sub3A_381 : i32 to vector<512x1xi32>
    %sub3A_383 = arith.subi %shift_right_arithmetic3A_380, %sub3A_382 : vector<512x1xi32>
    %mul3A_384 = arith.constant 16 : i32
    %mul3A_385 = vector.broadcast %mul3A_384 : i32 to vector<512x1xi32>
    %mul3A_386 = arith.muli %broadcast_in_dim3A_363, %mul3A_385 : vector<512x1xi32>
    %add3A_387 = arith.addi %mul3A_386, %sub3A_383 : vector<512x1xi32>
    %lt3A_388 = arith.constant 128 : i32
    %lt3A_389 = vector.broadcast %lt3A_388 : i32 to vector<512x1xi32>
    %lt3A_390 = arith.cmpi slt, %broadcast_in_dim3A_363, %lt3A_389 : vector<512x1xi32>
    %select_n3A_391 = arith.select %lt3A_390, %add3A_387, %select_n3A_97 : vector<512x1xi1>, vector<512x1xi32>
    %add3A_392 = vector.broadcast %mul3A_64 : i32 to vector<512x1xi32>
    %add3A_393 = arith.addi %select_n3A_391, %add3A_392 : vector<512x1xi32>
    %xor3A_394 = vector.broadcast %and3A_375 : vector<512x1xi32> to vector<512x128xi32>
    %xor3A_395 = arith.xori %select_n3A_354, %xor3A_394 : vector<512x128xi32>
    %select_n3A_396 = arith.select %eq3A_365, %xor3A_395, %select_n3A_354 : vector<512x128xi1>, vector<512x128xi32>
    %ne3A_397 = arith.constant 0 : i32
    %ne3A_398 = vector.broadcast %ne3A_397 : i32 to vector<512x128xi32>
    %ne3A_399 = arith.cmpi ne, %select_n3A_396, %ne3A_398 : vector<512x128xi32>
    %jit3A_400 = arith.constant 128 : i32
    %broadcast_in_dim3A_401 = vector.broadcast %jit3A_400 : i32 to vector<512x128xi32>
    %select_n3A_402 = arith.select %ne3A_399, %iota3A_62, %broadcast_in_dim3A_401 : vector<512x128xi1>, vector<512x128xi32>
    %reduce_min3A_403 = arith.constant dense<2147483647> : vector<512xi32>
    %reduce_min3A_404 = vector.multi_reduction <minsi>, %select_n3A_402, %reduce_min3A_403 [1] : vector<512x128xi32> to vector<512xi32>
    %broadcast_in_dim3A_405 = vector.shape_cast %reduce_min3A_404 : vector<512xi32> to vector<512x1xi32>
    %eq3A_406 = vector.broadcast %broadcast_in_dim3A_405 : vector<512x1xi32> to vector<512x128xi32>
    %eq3A_407 = arith.cmpi eq, %iota3A_62, %eq3A_406 : vector<512x128xi32>
    %jit3A_408 = arith.constant 0 : i32
    %broadcast_in_dim3A_409 = vector.broadcast %jit3A_408 : i32 to vector<512x128xi32>
    %select_n3A_410 = arith.select %eq3A_407, %select_n3A_396, %broadcast_in_dim3A_409 : vector<512x128xi1>, vector<512x128xi32>
    %reduce_sum3A_411 = arith.constant dense<0> : vector<512xi32>
    %reduce_sum3A_412 = vector.multi_reduction <add>, %select_n3A_410, %reduce_sum3A_411 [1] : vector<512x128xi32> to vector<512xi32>
    %broadcast_in_dim3A_413 = vector.shape_cast %reduce_sum3A_412 : vector<512xi32> to vector<512x1xi32>
    %neg3A_414 = arith.constant 0 : i32
    %neg3A_415 = vector.broadcast %neg3A_414 : i32 to vector<512x1xi32>
    %neg3A_416 = arith.subi %neg3A_415, %broadcast_in_dim3A_413 : vector<512x1xi32>
    %and3A_417 = arith.andi %broadcast_in_dim3A_413, %neg3A_416 : vector<512x1xi32>
    %convert_element_type3A_418 = arith.sitofp %and3A_417 : vector<512x1xi32> to vector<512x1xf32>
    %bitcast_convert_type3A_419 = tpu.bitcast %convert_element_type3A_418 : vector<512x1xf32> -> vector<512x1xi32>
    %shift_right_arithmetic3A_420 = arith.constant 23 : i32
    %shift_right_arithmetic3A_421 = vector.broadcast %shift_right_arithmetic3A_420 : i32 to vector<512x1xi32>
    %shift_right_arithmetic3A_422 = arith.shrsi %bitcast_convert_type3A_419, %shift_right_arithmetic3A_421 : vector<512x1xi32>
    %sub3A_423 = arith.constant 127 : i32
    %sub3A_424 = vector.broadcast %sub3A_423 : i32 to vector<512x1xi32>
    %sub3A_425 = arith.subi %shift_right_arithmetic3A_422, %sub3A_424 : vector<512x1xi32>
    %mul3A_426 = arith.constant 16 : i32
    %mul3A_427 = vector.broadcast %mul3A_426 : i32 to vector<512x1xi32>
    %mul3A_428 = arith.muli %broadcast_in_dim3A_405, %mul3A_427 : vector<512x1xi32>
    %add3A_429 = arith.addi %mul3A_428, %sub3A_425 : vector<512x1xi32>
    %lt3A_430 = arith.constant 128 : i32
    %lt3A_431 = vector.broadcast %lt3A_430 : i32 to vector<512x1xi32>
    %lt3A_432 = arith.cmpi slt, %broadcast_in_dim3A_405, %lt3A_431 : vector<512x1xi32>
    %select_n3A_433 = arith.select %lt3A_432, %add3A_429, %select_n3A_97 : vector<512x1xi1>, vector<512x1xi32>
    %add3A_434 = vector.broadcast %mul3A_64 : i32 to vector<512x1xi32>
    %add3A_435 = arith.addi %select_n3A_433, %add3A_434 : vector<512x1xi32>
    %xor3A_436 = vector.broadcast %and3A_417 : vector<512x1xi32> to vector<512x128xi32>
    %xor3A_437 = arith.xori %select_n3A_396, %xor3A_436 : vector<512x128xi32>
    %select_n3A_438 = arith.select %eq3A_407, %xor3A_437, %select_n3A_396 : vector<512x128xi1>, vector<512x128xi32>
    %ne3A_439 = arith.constant 0 : i32
    %ne3A_440 = vector.broadcast %ne3A_439 : i32 to vector<512x128xi32>
    %ne3A_441 = arith.cmpi ne, %select_n3A_438, %ne3A_440 : vector<512x128xi32>
    %jit3A_442 = arith.constant 128 : i32
    %broadcast_in_dim3A_443 = vector.broadcast %jit3A_442 : i32 to vector<512x128xi32>
    %select_n3A_444 = arith.select %ne3A_441, %iota3A_62, %broadcast_in_dim3A_443 : vector<512x128xi1>, vector<512x128xi32>
    %reduce_min3A_445 = arith.constant dense<2147483647> : vector<512xi32>
    %reduce_min3A_446 = vector.multi_reduction <minsi>, %select_n3A_444, %reduce_min3A_445 [1] : vector<512x128xi32> to vector<512xi32>
    %broadcast_in_dim3A_447 = vector.shape_cast %reduce_min3A_446 : vector<512xi32> to vector<512x1xi32>
    %eq3A_448 = vector.broadcast %broadcast_in_dim3A_447 : vector<512x1xi32> to vector<512x128xi32>
    %eq3A_449 = arith.cmpi eq, %iota3A_62, %eq3A_448 : vector<512x128xi32>
    %jit3A_450 = arith.constant 0 : i32
    %broadcast_in_dim3A_451 = vector.broadcast %jit3A_450 : i32 to vector<512x128xi32>
    %select_n3A_452 = arith.select %eq3A_449, %select_n3A_438, %broadcast_in_dim3A_451 : vector<512x128xi1>, vector<512x128xi32>
    %reduce_sum3A_453 = arith.constant dense<0> : vector<512xi32>
    %reduce_sum3A_454 = vector.multi_reduction <add>, %select_n3A_452, %reduce_sum3A_453 [1] : vector<512x128xi32> to vector<512xi32>
    %broadcast_in_dim3A_455 = vector.shape_cast %reduce_sum3A_454 : vector<512xi32> to vector<512x1xi32>
    %neg3A_456 = arith.constant 0 : i32
    %neg3A_457 = vector.broadcast %neg3A_456 : i32 to vector<512x1xi32>
    %neg3A_458 = arith.subi %neg3A_457, %broadcast_in_dim3A_455 : vector<512x1xi32>
    %and3A_459 = arith.andi %broadcast_in_dim3A_455, %neg3A_458 : vector<512x1xi32>
    %convert_element_type3A_460 = arith.sitofp %and3A_459 : vector<512x1xi32> to vector<512x1xf32>
    %bitcast_convert_type3A_461 = tpu.bitcast %convert_element_type3A_460 : vector<512x1xf32> -> vector<512x1xi32>
    %shift_right_arithmetic3A_462 = arith.constant 23 : i32
    %shift_right_arithmetic3A_463 = vector.broadcast %shift_right_arithmetic3A_462 : i32 to vector<512x1xi32>
    %shift_right_arithmetic3A_464 = arith.shrsi %bitcast_convert_type3A_461, %shift_right_arithmetic3A_463 : vector<512x1xi32>
    %sub3A_465 = arith.constant 127 : i32
    %sub3A_466 = vector.broadcast %sub3A_465 : i32 to vector<512x1xi32>
    %sub3A_467 = arith.subi %shift_right_arithmetic3A_464, %sub3A_466 : vector<512x1xi32>
    %mul3A_468 = arith.constant 16 : i32
    %mul3A_469 = vector.broadcast %mul3A_468 : i32 to vector<512x1xi32>
    %mul3A_470 = arith.muli %broadcast_in_dim3A_447, %mul3A_469 : vector<512x1xi32>
    %add3A_471 = arith.addi %mul3A_470, %sub3A_467 : vector<512x1xi32>
    %lt3A_472 = arith.constant 128 : i32
    %lt3A_473 = vector.broadcast %lt3A_472 : i32 to vector<512x1xi32>
    %lt3A_474 = arith.cmpi slt, %broadcast_in_dim3A_447, %lt3A_473 : vector<512x1xi32>
    %select_n3A_475 = arith.select %lt3A_474, %add3A_471, %select_n3A_97 : vector<512x1xi1>, vector<512x1xi32>
    %add3A_476 = vector.broadcast %mul3A_64 : i32 to vector<512x1xi32>
    %add3A_477 = arith.addi %select_n3A_475, %add3A_476 : vector<512x1xi32>
    %xor3A_478 = vector.broadcast %and3A_459 : vector<512x1xi32> to vector<512x128xi32>
    %xor3A_479 = arith.xori %select_n3A_438, %xor3A_478 : vector<512x128xi32>
    %select_n3A_480 = arith.select %eq3A_449, %xor3A_479, %select_n3A_438 : vector<512x128xi1>, vector<512x128xi32>
    %ne3A_481 = arith.constant 0 : i32
    %ne3A_482 = vector.broadcast %ne3A_481 : i32 to vector<512x128xi32>
    %ne3A_483 = arith.cmpi ne, %select_n3A_480, %ne3A_482 : vector<512x128xi32>
    %jit3A_484 = arith.constant 128 : i32
    %broadcast_in_dim3A_485 = vector.broadcast %jit3A_484 : i32 to vector<512x128xi32>
    %select_n3A_486 = arith.select %ne3A_483, %iota3A_62, %broadcast_in_dim3A_485 : vector<512x128xi1>, vector<512x128xi32>
    %reduce_min3A_487 = arith.constant dense<2147483647> : vector<512xi32>
    %reduce_min3A_488 = vector.multi_reduction <minsi>, %select_n3A_486, %reduce_min3A_487 [1] : vector<512x128xi32> to vector<512xi32>
    %broadcast_in_dim3A_489 = vector.shape_cast %reduce_min3A_488 : vector<512xi32> to vector<512x1xi32>
    %eq3A_490 = vector.broadcast %broadcast_in_dim3A_489 : vector<512x1xi32> to vector<512x128xi32>
    %eq3A_491 = arith.cmpi eq, %iota3A_62, %eq3A_490 : vector<512x128xi32>
    %jit3A_492 = arith.constant 0 : i32
    %broadcast_in_dim3A_493 = vector.broadcast %jit3A_492 : i32 to vector<512x128xi32>
    %select_n3A_494 = arith.select %eq3A_491, %select_n3A_480, %broadcast_in_dim3A_493 : vector<512x128xi1>, vector<512x128xi32>
    %reduce_sum3A_495 = arith.constant dense<0> : vector<512xi32>
    %reduce_sum3A_496 = vector.multi_reduction <add>, %select_n3A_494, %reduce_sum3A_495 [1] : vector<512x128xi32> to vector<512xi32>
    %broadcast_in_dim3A_497 = vector.shape_cast %reduce_sum3A_496 : vector<512xi32> to vector<512x1xi32>
    %neg3A_498 = arith.constant 0 : i32
    %neg3A_499 = vector.broadcast %neg3A_498 : i32 to vector<512x1xi32>
    %neg3A_500 = arith.subi %neg3A_499, %broadcast_in_dim3A_497 : vector<512x1xi32>
    %and3A_501 = arith.andi %broadcast_in_dim3A_497, %neg3A_500 : vector<512x1xi32>
    %convert_element_type3A_502 = arith.sitofp %and3A_501 : vector<512x1xi32> to vector<512x1xf32>
    %bitcast_convert_type3A_503 = tpu.bitcast %convert_element_type3A_502 : vector<512x1xf32> -> vector<512x1xi32>
    %shift_right_arithmetic3A_504 = arith.constant 23 : i32
    %shift_right_arithmetic3A_505 = vector.broadcast %shift_right_arithmetic3A_504 : i32 to vector<512x1xi32>
    %shift_right_arithmetic3A_506 = arith.shrsi %bitcast_convert_type3A_503, %shift_right_arithmetic3A_505 : vector<512x1xi32>
    %sub3A_507 = arith.constant 127 : i32
    %sub3A_508 = vector.broadcast %sub3A_507 : i32 to vector<512x1xi32>
    %sub3A_509 = arith.subi %shift_right_arithmetic3A_506, %sub3A_508 : vector<512x1xi32>
    %mul3A_510 = arith.constant 16 : i32
    %mul3A_511 = vector.broadcast %mul3A_510 : i32 to vector<512x1xi32>
    %mul3A_512 = arith.muli %broadcast_in_dim3A_489, %mul3A_511 : vector<512x1xi32>
    %add3A_513 = arith.addi %mul3A_512, %sub3A_509 : vector<512x1xi32>
    %lt3A_514 = arith.constant 128 : i32
    %lt3A_515 = vector.broadcast %lt3A_514 : i32 to vector<512x1xi32>
    %lt3A_516 = arith.cmpi slt, %broadcast_in_dim3A_489, %lt3A_515 : vector<512x1xi32>
    %select_n3A_517 = arith.select %lt3A_516, %add3A_513, %select_n3A_97 : vector<512x1xi1>, vector<512x1xi32>
    %add3A_518 = vector.broadcast %mul3A_64 : i32 to vector<512x1xi32>
    %add3A_519 = arith.addi %select_n3A_517, %add3A_518 : vector<512x1xi32>
    %xor3A_520 = vector.broadcast %and3A_501 : vector<512x1xi32> to vector<512x128xi32>
    %xor3A_521 = arith.xori %select_n3A_480, %xor3A_520 : vector<512x128xi32>
    %select_n3A_522 = arith.select %eq3A_491, %xor3A_521, %select_n3A_480 : vector<512x128xi1>, vector<512x128xi32>
    %ne3A_523 = arith.constant 0 : i32
    %ne3A_524 = vector.broadcast %ne3A_523 : i32 to vector<512x128xi32>
    %ne3A_525 = arith.cmpi ne, %select_n3A_522, %ne3A_524 : vector<512x128xi32>
    %jit3A_526 = arith.constant 128 : i32
    %broadcast_in_dim3A_527 = vector.broadcast %jit3A_526 : i32 to vector<512x128xi32>
    %select_n3A_528 = arith.select %ne3A_525, %iota3A_62, %broadcast_in_dim3A_527 : vector<512x128xi1>, vector<512x128xi32>
    %reduce_min3A_529 = arith.constant dense<2147483647> : vector<512xi32>
    %reduce_min3A_530 = vector.multi_reduction <minsi>, %select_n3A_528, %reduce_min3A_529 [1] : vector<512x128xi32> to vector<512xi32>
    %broadcast_in_dim3A_531 = vector.shape_cast %reduce_min3A_530 : vector<512xi32> to vector<512x1xi32>
    %eq3A_532 = vector.broadcast %broadcast_in_dim3A_531 : vector<512x1xi32> to vector<512x128xi32>
    %eq3A_533 = arith.cmpi eq, %iota3A_62, %eq3A_532 : vector<512x128xi32>
    %jit3A_534 = arith.constant 0 : i32
    %broadcast_in_dim3A_535 = vector.broadcast %jit3A_534 : i32 to vector<512x128xi32>
    %select_n3A_536 = arith.select %eq3A_533, %select_n3A_522, %broadcast_in_dim3A_535 : vector<512x128xi1>, vector<512x128xi32>
    %reduce_sum3A_537 = arith.constant dense<0> : vector<512xi32>
    %reduce_sum3A_538 = vector.multi_reduction <add>, %select_n3A_536, %reduce_sum3A_537 [1] : vector<512x128xi32> to vector<512xi32>
    %broadcast_in_dim3A_539 = vector.shape_cast %reduce_sum3A_538 : vector<512xi32> to vector<512x1xi32>
    %neg3A_540 = arith.constant 0 : i32
    %neg3A_541 = vector.broadcast %neg3A_540 : i32 to vector<512x1xi32>
    %neg3A_542 = arith.subi %neg3A_541, %broadcast_in_dim3A_539 : vector<512x1xi32>
    %and3A_543 = arith.andi %broadcast_in_dim3A_539, %neg3A_542 : vector<512x1xi32>
    %convert_element_type3A_544 = arith.sitofp %and3A_543 : vector<512x1xi32> to vector<512x1xf32>
    %bitcast_convert_type3A_545 = tpu.bitcast %convert_element_type3A_544 : vector<512x1xf32> -> vector<512x1xi32>
    %shift_right_arithmetic3A_546 = arith.constant 23 : i32
    %shift_right_arithmetic3A_547 = vector.broadcast %shift_right_arithmetic3A_546 : i32 to vector<512x1xi32>
    %shift_right_arithmetic3A_548 = arith.shrsi %bitcast_convert_type3A_545, %shift_right_arithmetic3A_547 : vector<512x1xi32>
    %sub3A_549 = arith.constant 127 : i32
    %sub3A_550 = vector.broadcast %sub3A_549 : i32 to vector<512x1xi32>
    %sub3A_551 = arith.subi %shift_right_arithmetic3A_548, %sub3A_550 : vector<512x1xi32>
    %mul3A_552 = arith.constant 16 : i32
    %mul3A_553 = vector.broadcast %mul3A_552 : i32 to vector<512x1xi32>
    %mul3A_554 = arith.muli %broadcast_in_dim3A_531, %mul3A_553 : vector<512x1xi32>
    %add3A_555 = arith.addi %mul3A_554, %sub3A_551 : vector<512x1xi32>
    %lt3A_556 = arith.constant 128 : i32
    %lt3A_557 = vector.broadcast %lt3A_556 : i32 to vector<512x1xi32>
    %lt3A_558 = arith.cmpi slt, %broadcast_in_dim3A_531, %lt3A_557 : vector<512x1xi32>
    %select_n3A_559 = arith.select %lt3A_558, %add3A_555, %select_n3A_97 : vector<512x1xi1>, vector<512x1xi32>
    %add3A_560 = vector.broadcast %mul3A_64 : i32 to vector<512x1xi32>
    %add3A_561 = arith.addi %select_n3A_559, %add3A_560 : vector<512x1xi32>
    %xor3A_562 = vector.broadcast %and3A_543 : vector<512x1xi32> to vector<512x128xi32>
    %xor3A_563 = arith.xori %select_n3A_522, %xor3A_562 : vector<512x128xi32>
    %select_n3A_564 = arith.select %eq3A_533, %xor3A_563, %select_n3A_522 : vector<512x128xi1>, vector<512x128xi32>
    %ne3A_565 = arith.constant 0 : i32
    %ne3A_566 = vector.broadcast %ne3A_565 : i32 to vector<512x128xi32>
    %ne3A_567 = arith.cmpi ne, %select_n3A_564, %ne3A_566 : vector<512x128xi32>
    %jit3A_568 = arith.constant 128 : i32
    %broadcast_in_dim3A_569 = vector.broadcast %jit3A_568 : i32 to vector<512x128xi32>
    %select_n3A_570 = arith.select %ne3A_567, %iota3A_62, %broadcast_in_dim3A_569 : vector<512x128xi1>, vector<512x128xi32>
    %reduce_min3A_571 = arith.constant dense<2147483647> : vector<512xi32>
    %reduce_min3A_572 = vector.multi_reduction <minsi>, %select_n3A_570, %reduce_min3A_571 [1] : vector<512x128xi32> to vector<512xi32>
    %broadcast_in_dim3A_573 = vector.shape_cast %reduce_min3A_572 : vector<512xi32> to vector<512x1xi32>
    %eq3A_574 = vector.broadcast %broadcast_in_dim3A_573 : vector<512x1xi32> to vector<512x128xi32>
    %eq3A_575 = arith.cmpi eq, %iota3A_62, %eq3A_574 : vector<512x128xi32>
    %jit3A_576 = arith.constant 0 : i32
    %broadcast_in_dim3A_577 = vector.broadcast %jit3A_576 : i32 to vector<512x128xi32>
    %select_n3A_578 = arith.select %eq3A_575, %select_n3A_564, %broadcast_in_dim3A_577 : vector<512x128xi1>, vector<512x128xi32>
    %reduce_sum3A_579 = arith.constant dense<0> : vector<512xi32>
    %reduce_sum3A_580 = vector.multi_reduction <add>, %select_n3A_578, %reduce_sum3A_579 [1] : vector<512x128xi32> to vector<512xi32>
    %broadcast_in_dim3A_581 = vector.shape_cast %reduce_sum3A_580 : vector<512xi32> to vector<512x1xi32>
    %neg3A_582 = arith.constant 0 : i32
    %neg3A_583 = vector.broadcast %neg3A_582 : i32 to vector<512x1xi32>
    %neg3A_584 = arith.subi %neg3A_583, %broadcast_in_dim3A_581 : vector<512x1xi32>
    %and3A_585 = arith.andi %broadcast_in_dim3A_581, %neg3A_584 : vector<512x1xi32>
    %convert_element_type3A_586 = arith.sitofp %and3A_585 : vector<512x1xi32> to vector<512x1xf32>
    %bitcast_convert_type3A_587 = tpu.bitcast %convert_element_type3A_586 : vector<512x1xf32> -> vector<512x1xi32>
    %shift_right_arithmetic3A_588 = arith.constant 23 : i32
    %shift_right_arithmetic3A_589 = vector.broadcast %shift_right_arithmetic3A_588 : i32 to vector<512x1xi32>
    %shift_right_arithmetic3A_590 = arith.shrsi %bitcast_convert_type3A_587, %shift_right_arithmetic3A_589 : vector<512x1xi32>
    %sub3A_591 = arith.constant 127 : i32
    %sub3A_592 = vector.broadcast %sub3A_591 : i32 to vector<512x1xi32>
    %sub3A_593 = arith.subi %shift_right_arithmetic3A_590, %sub3A_592 : vector<512x1xi32>
    %mul3A_594 = arith.constant 16 : i32
    %mul3A_595 = vector.broadcast %mul3A_594 : i32 to vector<512x1xi32>
    %mul3A_596 = arith.muli %broadcast_in_dim3A_573, %mul3A_595 : vector<512x1xi32>
    %add3A_597 = arith.addi %mul3A_596, %sub3A_593 : vector<512x1xi32>
    %lt3A_598 = arith.constant 128 : i32
    %lt3A_599 = vector.broadcast %lt3A_598 : i32 to vector<512x1xi32>
    %lt3A_600 = arith.cmpi slt, %broadcast_in_dim3A_573, %lt3A_599 : vector<512x1xi32>
    %select_n3A_601 = arith.select %lt3A_600, %add3A_597, %select_n3A_97 : vector<512x1xi1>, vector<512x1xi32>
    %add3A_602 = vector.broadcast %mul3A_64 : i32 to vector<512x1xi32>
    %add3A_603 = arith.addi %select_n3A_601, %add3A_602 : vector<512x1xi32>
    %xor3A_604 = vector.broadcast %and3A_585 : vector<512x1xi32> to vector<512x128xi32>
    %xor3A_605 = arith.xori %select_n3A_564, %xor3A_604 : vector<512x128xi32>
    %select_n3A_606 = arith.select %eq3A_575, %xor3A_605, %select_n3A_564 : vector<512x128xi1>, vector<512x128xi32>
    %ne3A_607 = arith.constant 0 : i32
    %ne3A_608 = vector.broadcast %ne3A_607 : i32 to vector<512x128xi32>
    %ne3A_609 = arith.cmpi ne, %select_n3A_606, %ne3A_608 : vector<512x128xi32>
    %jit3A_610 = arith.constant 128 : i32
    %broadcast_in_dim3A_611 = vector.broadcast %jit3A_610 : i32 to vector<512x128xi32>
    %select_n3A_612 = arith.select %ne3A_609, %iota3A_62, %broadcast_in_dim3A_611 : vector<512x128xi1>, vector<512x128xi32>
    %reduce_min3A_613 = arith.constant dense<2147483647> : vector<512xi32>
    %reduce_min3A_614 = vector.multi_reduction <minsi>, %select_n3A_612, %reduce_min3A_613 [1] : vector<512x128xi32> to vector<512xi32>
    %broadcast_in_dim3A_615 = vector.shape_cast %reduce_min3A_614 : vector<512xi32> to vector<512x1xi32>
    %eq3A_616 = vector.broadcast %broadcast_in_dim3A_615 : vector<512x1xi32> to vector<512x128xi32>
    %eq3A_617 = arith.cmpi eq, %iota3A_62, %eq3A_616 : vector<512x128xi32>
    %jit3A_618 = arith.constant 0 : i32
    %broadcast_in_dim3A_619 = vector.broadcast %jit3A_618 : i32 to vector<512x128xi32>
    %select_n3A_620 = arith.select %eq3A_617, %select_n3A_606, %broadcast_in_dim3A_619 : vector<512x128xi1>, vector<512x128xi32>
    %reduce_sum3A_621 = arith.constant dense<0> : vector<512xi32>
    %reduce_sum3A_622 = vector.multi_reduction <add>, %select_n3A_620, %reduce_sum3A_621 [1] : vector<512x128xi32> to vector<512xi32>
    %broadcast_in_dim3A_623 = vector.shape_cast %reduce_sum3A_622 : vector<512xi32> to vector<512x1xi32>
    %neg3A_624 = arith.constant 0 : i32
    %neg3A_625 = vector.broadcast %neg3A_624 : i32 to vector<512x1xi32>
    %neg3A_626 = arith.subi %neg3A_625, %broadcast_in_dim3A_623 : vector<512x1xi32>
    %and3A_627 = arith.andi %broadcast_in_dim3A_623, %neg3A_626 : vector<512x1xi32>
    %convert_element_type3A_628 = arith.sitofp %and3A_627 : vector<512x1xi32> to vector<512x1xf32>
    %bitcast_convert_type3A_629 = tpu.bitcast %convert_element_type3A_628 : vector<512x1xf32> -> vector<512x1xi32>
    %shift_right_arithmetic3A_630 = arith.constant 23 : i32
    %shift_right_arithmetic3A_631 = vector.broadcast %shift_right_arithmetic3A_630 : i32 to vector<512x1xi32>
    %shift_right_arithmetic3A_632 = arith.shrsi %bitcast_convert_type3A_629, %shift_right_arithmetic3A_631 : vector<512x1xi32>
    %sub3A_633 = arith.constant 127 : i32
    %sub3A_634 = vector.broadcast %sub3A_633 : i32 to vector<512x1xi32>
    %sub3A_635 = arith.subi %shift_right_arithmetic3A_632, %sub3A_634 : vector<512x1xi32>
    %mul3A_636 = arith.constant 16 : i32
    %mul3A_637 = vector.broadcast %mul3A_636 : i32 to vector<512x1xi32>
    %mul3A_638 = arith.muli %broadcast_in_dim3A_615, %mul3A_637 : vector<512x1xi32>
    %add3A_639 = arith.addi %mul3A_638, %sub3A_635 : vector<512x1xi32>
    %lt3A_640 = arith.constant 128 : i32
    %lt3A_641 = vector.broadcast %lt3A_640 : i32 to vector<512x1xi32>
    %lt3A_642 = arith.cmpi slt, %broadcast_in_dim3A_615, %lt3A_641 : vector<512x1xi32>
    %select_n3A_643 = arith.select %lt3A_642, %add3A_639, %select_n3A_97 : vector<512x1xi1>, vector<512x1xi32>
    %add3A_644 = vector.broadcast %mul3A_64 : i32 to vector<512x1xi32>
    %add3A_645 = arith.addi %select_n3A_643, %add3A_644 : vector<512x1xi32>
    %xor3A_646 = vector.broadcast %and3A_627 : vector<512x1xi32> to vector<512x128xi32>
    %xor3A_647 = arith.xori %select_n3A_606, %xor3A_646 : vector<512x128xi32>
    %select_n3A_648 = arith.select %eq3A_617, %xor3A_647, %select_n3A_606 : vector<512x128xi1>, vector<512x128xi32>
    %ne3A_649 = arith.constant 0 : i32
    %ne3A_650 = vector.broadcast %ne3A_649 : i32 to vector<512x128xi32>
    %ne3A_651 = arith.cmpi ne, %select_n3A_648, %ne3A_650 : vector<512x128xi32>
    %jit3A_652 = arith.constant 128 : i32
    %broadcast_in_dim3A_653 = vector.broadcast %jit3A_652 : i32 to vector<512x128xi32>
    %select_n3A_654 = arith.select %ne3A_651, %iota3A_62, %broadcast_in_dim3A_653 : vector<512x128xi1>, vector<512x128xi32>
    %reduce_min3A_655 = arith.constant dense<2147483647> : vector<512xi32>
    %reduce_min3A_656 = vector.multi_reduction <minsi>, %select_n3A_654, %reduce_min3A_655 [1] : vector<512x128xi32> to vector<512xi32>
    %broadcast_in_dim3A_657 = vector.shape_cast %reduce_min3A_656 : vector<512xi32> to vector<512x1xi32>
    %eq3A_658 = vector.broadcast %broadcast_in_dim3A_657 : vector<512x1xi32> to vector<512x128xi32>
    %eq3A_659 = arith.cmpi eq, %iota3A_62, %eq3A_658 : vector<512x128xi32>
    %jit3A_660 = arith.constant 0 : i32
    %broadcast_in_dim3A_661 = vector.broadcast %jit3A_660 : i32 to vector<512x128xi32>
    %select_n3A_662 = arith.select %eq3A_659, %select_n3A_648, %broadcast_in_dim3A_661 : vector<512x128xi1>, vector<512x128xi32>
    %reduce_sum3A_663 = arith.constant dense<0> : vector<512xi32>
    %reduce_sum3A_664 = vector.multi_reduction <add>, %select_n3A_662, %reduce_sum3A_663 [1] : vector<512x128xi32> to vector<512xi32>
    %broadcast_in_dim3A_665 = vector.shape_cast %reduce_sum3A_664 : vector<512xi32> to vector<512x1xi32>
    %neg3A_666 = arith.constant 0 : i32
    %neg3A_667 = vector.broadcast %neg3A_666 : i32 to vector<512x1xi32>
    %neg3A_668 = arith.subi %neg3A_667, %broadcast_in_dim3A_665 : vector<512x1xi32>
    %and3A_669 = arith.andi %broadcast_in_dim3A_665, %neg3A_668 : vector<512x1xi32>
    %convert_element_type3A_670 = arith.sitofp %and3A_669 : vector<512x1xi32> to vector<512x1xf32>
    %bitcast_convert_type3A_671 = tpu.bitcast %convert_element_type3A_670 : vector<512x1xf32> -> vector<512x1xi32>
    %shift_right_arithmetic3A_672 = arith.constant 23 : i32
    %shift_right_arithmetic3A_673 = vector.broadcast %shift_right_arithmetic3A_672 : i32 to vector<512x1xi32>
    %shift_right_arithmetic3A_674 = arith.shrsi %bitcast_convert_type3A_671, %shift_right_arithmetic3A_673 : vector<512x1xi32>
    %sub3A_675 = arith.constant 127 : i32
    %sub3A_676 = vector.broadcast %sub3A_675 : i32 to vector<512x1xi32>
    %sub3A_677 = arith.subi %shift_right_arithmetic3A_674, %sub3A_676 : vector<512x1xi32>
    %mul3A_678 = arith.constant 16 : i32
    %mul3A_679 = vector.broadcast %mul3A_678 : i32 to vector<512x1xi32>
    %mul3A_680 = arith.muli %broadcast_in_dim3A_657, %mul3A_679 : vector<512x1xi32>
    %add3A_681 = arith.addi %mul3A_680, %sub3A_677 : vector<512x1xi32>
    %lt3A_682 = arith.constant 128 : i32
    %lt3A_683 = vector.broadcast %lt3A_682 : i32 to vector<512x1xi32>
    %lt3A_684 = arith.cmpi slt, %broadcast_in_dim3A_657, %lt3A_683 : vector<512x1xi32>
    %select_n3A_685 = arith.select %lt3A_684, %add3A_681, %select_n3A_97 : vector<512x1xi1>, vector<512x1xi32>
    %add3A_686 = vector.broadcast %mul3A_64 : i32 to vector<512x1xi32>
    %add3A_687 = arith.addi %select_n3A_685, %add3A_686 : vector<512x1xi32>
    %xor3A_688 = vector.broadcast %and3A_669 : vector<512x1xi32> to vector<512x128xi32>
    %xor3A_689 = arith.xori %select_n3A_648, %xor3A_688 : vector<512x128xi32>
    %select_n3A_690 = arith.select %eq3A_659, %xor3A_689, %select_n3A_648 : vector<512x128xi1>, vector<512x128xi32>
    %ne3A_691 = arith.constant 0 : i32
    %ne3A_692 = vector.broadcast %ne3A_691 : i32 to vector<512x128xi32>
    %ne3A_693 = arith.cmpi ne, %select_n3A_690, %ne3A_692 : vector<512x128xi32>
    %jit3A_694 = arith.constant 128 : i32
    %broadcast_in_dim3A_695 = vector.broadcast %jit3A_694 : i32 to vector<512x128xi32>
    %select_n3A_696 = arith.select %ne3A_693, %iota3A_62, %broadcast_in_dim3A_695 : vector<512x128xi1>, vector<512x128xi32>
    %reduce_min3A_697 = arith.constant dense<2147483647> : vector<512xi32>
    %reduce_min3A_698 = vector.multi_reduction <minsi>, %select_n3A_696, %reduce_min3A_697 [1] : vector<512x128xi32> to vector<512xi32>
    %broadcast_in_dim3A_699 = vector.shape_cast %reduce_min3A_698 : vector<512xi32> to vector<512x1xi32>
    %eq3A_700 = vector.broadcast %broadcast_in_dim3A_699 : vector<512x1xi32> to vector<512x128xi32>
    %eq3A_701 = arith.cmpi eq, %iota3A_62, %eq3A_700 : vector<512x128xi32>
    %jit3A_702 = arith.constant 0 : i32
    %broadcast_in_dim3A_703 = vector.broadcast %jit3A_702 : i32 to vector<512x128xi32>
    %select_n3A_704 = arith.select %eq3A_701, %select_n3A_690, %broadcast_in_dim3A_703 : vector<512x128xi1>, vector<512x128xi32>
    %reduce_sum3A_705 = arith.constant dense<0> : vector<512xi32>
    %reduce_sum3A_706 = vector.multi_reduction <add>, %select_n3A_704, %reduce_sum3A_705 [1] : vector<512x128xi32> to vector<512xi32>
    %broadcast_in_dim3A_707 = vector.shape_cast %reduce_sum3A_706 : vector<512xi32> to vector<512x1xi32>
    %neg3A_708 = arith.constant 0 : i32
    %neg3A_709 = vector.broadcast %neg3A_708 : i32 to vector<512x1xi32>
    %neg3A_710 = arith.subi %neg3A_709, %broadcast_in_dim3A_707 : vector<512x1xi32>
    %and3A_711 = arith.andi %broadcast_in_dim3A_707, %neg3A_710 : vector<512x1xi32>
    %convert_element_type3A_712 = arith.sitofp %and3A_711 : vector<512x1xi32> to vector<512x1xf32>
    %bitcast_convert_type3A_713 = tpu.bitcast %convert_element_type3A_712 : vector<512x1xf32> -> vector<512x1xi32>
    %shift_right_arithmetic3A_714 = arith.constant 23 : i32
    %shift_right_arithmetic3A_715 = vector.broadcast %shift_right_arithmetic3A_714 : i32 to vector<512x1xi32>
    %shift_right_arithmetic3A_716 = arith.shrsi %bitcast_convert_type3A_713, %shift_right_arithmetic3A_715 : vector<512x1xi32>
    %sub3A_717 = arith.constant 127 : i32
    %sub3A_718 = vector.broadcast %sub3A_717 : i32 to vector<512x1xi32>
    %sub3A_719 = arith.subi %shift_right_arithmetic3A_716, %sub3A_718 : vector<512x1xi32>
    %mul3A_720 = arith.constant 16 : i32
    %mul3A_721 = vector.broadcast %mul3A_720 : i32 to vector<512x1xi32>
    %mul3A_722 = arith.muli %broadcast_in_dim3A_699, %mul3A_721 : vector<512x1xi32>
    %add3A_723 = arith.addi %mul3A_722, %sub3A_719 : vector<512x1xi32>
    %lt3A_724 = arith.constant 128 : i32
    %lt3A_725 = vector.broadcast %lt3A_724 : i32 to vector<512x1xi32>
    %lt3A_726 = arith.cmpi slt, %broadcast_in_dim3A_699, %lt3A_725 : vector<512x1xi32>
    %select_n3A_727 = arith.select %lt3A_726, %add3A_723, %select_n3A_97 : vector<512x1xi1>, vector<512x1xi32>
    %add3A_728 = vector.broadcast %mul3A_64 : i32 to vector<512x1xi32>
    %add3A_729 = arith.addi %select_n3A_727, %add3A_728 : vector<512x1xi32>
    %xor3A_730 = vector.broadcast %and3A_711 : vector<512x1xi32> to vector<512x128xi32>
    %xor3A_731 = arith.xori %select_n3A_690, %xor3A_730 : vector<512x128xi32>
    %select_n3A_732 = arith.select %eq3A_701, %xor3A_731, %select_n3A_690 : vector<512x128xi1>, vector<512x128xi32>
    %ne3A_733 = arith.constant 0 : i32
    %ne3A_734 = vector.broadcast %ne3A_733 : i32 to vector<512x128xi32>
    %ne3A_735 = arith.cmpi ne, %select_n3A_732, %ne3A_734 : vector<512x128xi32>
    %jit3A_736 = arith.constant 128 : i32
    %broadcast_in_dim3A_737 = vector.broadcast %jit3A_736 : i32 to vector<512x128xi32>
    %select_n3A_738 = arith.select %ne3A_735, %iota3A_62, %broadcast_in_dim3A_737 : vector<512x128xi1>, vector<512x128xi32>
    %reduce_min3A_739 = arith.constant dense<2147483647> : vector<512xi32>
    %reduce_min3A_740 = vector.multi_reduction <minsi>, %select_n3A_738, %reduce_min3A_739 [1] : vector<512x128xi32> to vector<512xi32>
    %broadcast_in_dim3A_741 = vector.shape_cast %reduce_min3A_740 : vector<512xi32> to vector<512x1xi32>
    %eq3A_742 = vector.broadcast %broadcast_in_dim3A_741 : vector<512x1xi32> to vector<512x128xi32>
    %eq3A_743 = arith.cmpi eq, %iota3A_62, %eq3A_742 : vector<512x128xi32>
    %jit3A_744 = arith.constant 0 : i32
    %broadcast_in_dim3A_745 = vector.broadcast %jit3A_744 : i32 to vector<512x128xi32>
    %select_n3A_746 = arith.select %eq3A_743, %select_n3A_732, %broadcast_in_dim3A_745 : vector<512x128xi1>, vector<512x128xi32>
    %reduce_sum3A_747 = arith.constant dense<0> : vector<512xi32>
    %reduce_sum3A_748 = vector.multi_reduction <add>, %select_n3A_746, %reduce_sum3A_747 [1] : vector<512x128xi32> to vector<512xi32>
    %broadcast_in_dim3A_749 = vector.shape_cast %reduce_sum3A_748 : vector<512xi32> to vector<512x1xi32>
    %neg3A_750 = arith.constant 0 : i32
    %neg3A_751 = vector.broadcast %neg3A_750 : i32 to vector<512x1xi32>
    %neg3A_752 = arith.subi %neg3A_751, %broadcast_in_dim3A_749 : vector<512x1xi32>
    %and3A_753 = arith.andi %broadcast_in_dim3A_749, %neg3A_752 : vector<512x1xi32>
    %convert_element_type3A_754 = arith.sitofp %and3A_753 : vector<512x1xi32> to vector<512x1xf32>
    %bitcast_convert_type3A_755 = tpu.bitcast %convert_element_type3A_754 : vector<512x1xf32> -> vector<512x1xi32>
    %shift_right_arithmetic3A_756 = arith.constant 23 : i32
    %shift_right_arithmetic3A_757 = vector.broadcast %shift_right_arithmetic3A_756 : i32 to vector<512x1xi32>
    %shift_right_arithmetic3A_758 = arith.shrsi %bitcast_convert_type3A_755, %shift_right_arithmetic3A_757 : vector<512x1xi32>
    %sub3A_759 = arith.constant 127 : i32
    %sub3A_760 = vector.broadcast %sub3A_759 : i32 to vector<512x1xi32>
    %sub3A_761 = arith.subi %shift_right_arithmetic3A_758, %sub3A_760 : vector<512x1xi32>
    %mul3A_762 = arith.constant 16 : i32
    %mul3A_763 = vector.broadcast %mul3A_762 : i32 to vector<512x1xi32>
    %mul3A_764 = arith.muli %broadcast_in_dim3A_741, %mul3A_763 : vector<512x1xi32>
    %add3A_765 = arith.addi %mul3A_764, %sub3A_761 : vector<512x1xi32>
    %lt3A_766 = arith.constant 128 : i32
    %lt3A_767 = vector.broadcast %lt3A_766 : i32 to vector<512x1xi32>
    %lt3A_768 = arith.cmpi slt, %broadcast_in_dim3A_741, %lt3A_767 : vector<512x1xi32>
    %select_n3A_769 = arith.select %lt3A_768, %add3A_765, %select_n3A_97 : vector<512x1xi1>, vector<512x1xi32>
    %add3A_770 = vector.broadcast %mul3A_64 : i32 to vector<512x1xi32>
    %add3A_771 = arith.addi %select_n3A_769, %add3A_770 : vector<512x1xi32>
    %xor3A_772 = vector.broadcast %and3A_753 : vector<512x1xi32> to vector<512x128xi32>
    %xor3A_773 = arith.xori %select_n3A_732, %xor3A_772 : vector<512x128xi32>
    %select_n3A_774 = arith.select %eq3A_743, %xor3A_773, %select_n3A_732 : vector<512x128xi1>, vector<512x128xi32>
    %ne3A_775 = arith.constant 0 : i32
    %ne3A_776 = vector.broadcast %ne3A_775 : i32 to vector<512x128xi32>
    %ne3A_777 = arith.cmpi ne, %select_n3A_774, %ne3A_776 : vector<512x128xi32>
    %jit3A_778 = arith.constant 128 : i32
    %broadcast_in_dim3A_779 = vector.broadcast %jit3A_778 : i32 to vector<512x128xi32>
    %select_n3A_780 = arith.select %ne3A_777, %iota3A_62, %broadcast_in_dim3A_779 : vector<512x128xi1>, vector<512x128xi32>
    %reduce_min3A_781 = arith.constant dense<2147483647> : vector<512xi32>
    %reduce_min3A_782 = vector.multi_reduction <minsi>, %select_n3A_780, %reduce_min3A_781 [1] : vector<512x128xi32> to vector<512xi32>
    %broadcast_in_dim3A_783 = vector.shape_cast %reduce_min3A_782 : vector<512xi32> to vector<512x1xi32>
    %eq3A_784 = vector.broadcast %broadcast_in_dim3A_783 : vector<512x1xi32> to vector<512x128xi32>
    %eq3A_785 = arith.cmpi eq, %iota3A_62, %eq3A_784 : vector<512x128xi32>
    %jit3A_786 = arith.constant 0 : i32
    %broadcast_in_dim3A_787 = vector.broadcast %jit3A_786 : i32 to vector<512x128xi32>
    %select_n3A_788 = arith.select %eq3A_785, %select_n3A_774, %broadcast_in_dim3A_787 : vector<512x128xi1>, vector<512x128xi32>
    %reduce_sum3A_789 = arith.constant dense<0> : vector<512xi32>
    %reduce_sum3A_790 = vector.multi_reduction <add>, %select_n3A_788, %reduce_sum3A_789 [1] : vector<512x128xi32> to vector<512xi32>
    %broadcast_in_dim3A_791 = vector.shape_cast %reduce_sum3A_790 : vector<512xi32> to vector<512x1xi32>
    %neg3A_792 = arith.constant 0 : i32
    %neg3A_793 = vector.broadcast %neg3A_792 : i32 to vector<512x1xi32>
    %neg3A_794 = arith.subi %neg3A_793, %broadcast_in_dim3A_791 : vector<512x1xi32>
    %and3A_795 = arith.andi %broadcast_in_dim3A_791, %neg3A_794 : vector<512x1xi32>
    %convert_element_type3A_796 = arith.sitofp %and3A_795 : vector<512x1xi32> to vector<512x1xf32>
    %bitcast_convert_type3A_797 = tpu.bitcast %convert_element_type3A_796 : vector<512x1xf32> -> vector<512x1xi32>
    %shift_right_arithmetic3A_798 = arith.constant 23 : i32
    %shift_right_arithmetic3A_799 = vector.broadcast %shift_right_arithmetic3A_798 : i32 to vector<512x1xi32>
    %shift_right_arithmetic3A_800 = arith.shrsi %bitcast_convert_type3A_797, %shift_right_arithmetic3A_799 : vector<512x1xi32>
    %sub3A_801 = arith.constant 127 : i32
    %sub3A_802 = vector.broadcast %sub3A_801 : i32 to vector<512x1xi32>
    %sub3A_803 = arith.subi %shift_right_arithmetic3A_800, %sub3A_802 : vector<512x1xi32>
    %mul3A_804 = arith.constant 16 : i32
    %mul3A_805 = vector.broadcast %mul3A_804 : i32 to vector<512x1xi32>
    %mul3A_806 = arith.muli %broadcast_in_dim3A_783, %mul3A_805 : vector<512x1xi32>
    %add3A_807 = arith.addi %mul3A_806, %sub3A_803 : vector<512x1xi32>
    %lt3A_808 = arith.constant 128 : i32
    %lt3A_809 = vector.broadcast %lt3A_808 : i32 to vector<512x1xi32>
    %lt3A_810 = arith.cmpi slt, %broadcast_in_dim3A_783, %lt3A_809 : vector<512x1xi32>
    %select_n3A_811 = arith.select %lt3A_810, %add3A_807, %select_n3A_97 : vector<512x1xi1>, vector<512x1xi32>
    %add3A_812 = vector.broadcast %mul3A_64 : i32 to vector<512x1xi32>
    %add3A_813 = arith.addi %select_n3A_811, %add3A_812 : vector<512x1xi32>
    %xor3A_814 = vector.broadcast %and3A_795 : vector<512x1xi32> to vector<512x128xi32>
    %xor3A_815 = arith.xori %select_n3A_774, %xor3A_814 : vector<512x128xi32>
    %select_n3A_816 = arith.select %eq3A_785, %xor3A_815, %select_n3A_774 : vector<512x128xi1>, vector<512x128xi32>
    %ne3A_817 = arith.constant 0 : i32
    %ne3A_818 = vector.broadcast %ne3A_817 : i32 to vector<512x128xi32>
    %ne3A_819 = arith.cmpi ne, %select_n3A_816, %ne3A_818 : vector<512x128xi32>
    %jit3A_820 = arith.constant 128 : i32
    %broadcast_in_dim3A_821 = vector.broadcast %jit3A_820 : i32 to vector<512x128xi32>
    %select_n3A_822 = arith.select %ne3A_819, %iota3A_62, %broadcast_in_dim3A_821 : vector<512x128xi1>, vector<512x128xi32>
    %reduce_min3A_823 = arith.constant dense<2147483647> : vector<512xi32>
    %reduce_min3A_824 = vector.multi_reduction <minsi>, %select_n3A_822, %reduce_min3A_823 [1] : vector<512x128xi32> to vector<512xi32>
    %broadcast_in_dim3A_825 = vector.shape_cast %reduce_min3A_824 : vector<512xi32> to vector<512x1xi32>
    %eq3A_826 = vector.broadcast %broadcast_in_dim3A_825 : vector<512x1xi32> to vector<512x128xi32>
    %eq3A_827 = arith.cmpi eq, %iota3A_62, %eq3A_826 : vector<512x128xi32>
    %jit3A_828 = arith.constant 0 : i32
    %broadcast_in_dim3A_829 = vector.broadcast %jit3A_828 : i32 to vector<512x128xi32>
    %select_n3A_830 = arith.select %eq3A_827, %select_n3A_816, %broadcast_in_dim3A_829 : vector<512x128xi1>, vector<512x128xi32>
    %reduce_sum3A_831 = arith.constant dense<0> : vector<512xi32>
    %reduce_sum3A_832 = vector.multi_reduction <add>, %select_n3A_830, %reduce_sum3A_831 [1] : vector<512x128xi32> to vector<512xi32>
    %broadcast_in_dim3A_833 = vector.shape_cast %reduce_sum3A_832 : vector<512xi32> to vector<512x1xi32>
    %neg3A_834 = arith.constant 0 : i32
    %neg3A_835 = vector.broadcast %neg3A_834 : i32 to vector<512x1xi32>
    %neg3A_836 = arith.subi %neg3A_835, %broadcast_in_dim3A_833 : vector<512x1xi32>
    %and3A_837 = arith.andi %broadcast_in_dim3A_833, %neg3A_836 : vector<512x1xi32>
    %convert_element_type3A_838 = arith.sitofp %and3A_837 : vector<512x1xi32> to vector<512x1xf32>
    %bitcast_convert_type3A_839 = tpu.bitcast %convert_element_type3A_838 : vector<512x1xf32> -> vector<512x1xi32>
    %shift_right_arithmetic3A_840 = arith.constant 23 : i32
    %shift_right_arithmetic3A_841 = vector.broadcast %shift_right_arithmetic3A_840 : i32 to vector<512x1xi32>
    %shift_right_arithmetic3A_842 = arith.shrsi %bitcast_convert_type3A_839, %shift_right_arithmetic3A_841 : vector<512x1xi32>
    %sub3A_843 = arith.constant 127 : i32
    %sub3A_844 = vector.broadcast %sub3A_843 : i32 to vector<512x1xi32>
    %sub3A_845 = arith.subi %shift_right_arithmetic3A_842, %sub3A_844 : vector<512x1xi32>
    %mul3A_846 = arith.constant 16 : i32
    %mul3A_847 = vector.broadcast %mul3A_846 : i32 to vector<512x1xi32>
    %mul3A_848 = arith.muli %broadcast_in_dim3A_825, %mul3A_847 : vector<512x1xi32>
    %add3A_849 = arith.addi %mul3A_848, %sub3A_845 : vector<512x1xi32>
    %lt3A_850 = arith.constant 128 : i32
    %lt3A_851 = vector.broadcast %lt3A_850 : i32 to vector<512x1xi32>
    %lt3A_852 = arith.cmpi slt, %broadcast_in_dim3A_825, %lt3A_851 : vector<512x1xi32>
    %select_n3A_853 = arith.select %lt3A_852, %add3A_849, %select_n3A_97 : vector<512x1xi1>, vector<512x1xi32>
    %add3A_854 = vector.broadcast %mul3A_64 : i32 to vector<512x1xi32>
    %add3A_855 = arith.addi %select_n3A_853, %add3A_854 : vector<512x1xi32>
    %xor3A_856 = vector.broadcast %and3A_837 : vector<512x1xi32> to vector<512x128xi32>
    %xor3A_857 = arith.xori %select_n3A_816, %xor3A_856 : vector<512x128xi32>
    %select_n3A_858 = arith.select %eq3A_827, %xor3A_857, %select_n3A_816 : vector<512x128xi1>, vector<512x128xi32>
    %ne3A_859 = arith.constant 0 : i32
    %ne3A_860 = vector.broadcast %ne3A_859 : i32 to vector<512x128xi32>
    %ne3A_861 = arith.cmpi ne, %select_n3A_858, %ne3A_860 : vector<512x128xi32>
    %jit3A_862 = arith.constant 128 : i32
    %broadcast_in_dim3A_863 = vector.broadcast %jit3A_862 : i32 to vector<512x128xi32>
    %select_n3A_864 = arith.select %ne3A_861, %iota3A_62, %broadcast_in_dim3A_863 : vector<512x128xi1>, vector<512x128xi32>
    %reduce_min3A_865 = arith.constant dense<2147483647> : vector<512xi32>
    %reduce_min3A_866 = vector.multi_reduction <minsi>, %select_n3A_864, %reduce_min3A_865 [1] : vector<512x128xi32> to vector<512xi32>
    %broadcast_in_dim3A_867 = vector.shape_cast %reduce_min3A_866 : vector<512xi32> to vector<512x1xi32>
    %eq3A_868 = vector.broadcast %broadcast_in_dim3A_867 : vector<512x1xi32> to vector<512x128xi32>
    %eq3A_869 = arith.cmpi eq, %iota3A_62, %eq3A_868 : vector<512x128xi32>
    %jit3A_870 = arith.constant 0 : i32
    %broadcast_in_dim3A_871 = vector.broadcast %jit3A_870 : i32 to vector<512x128xi32>
    %select_n3A_872 = arith.select %eq3A_869, %select_n3A_858, %broadcast_in_dim3A_871 : vector<512x128xi1>, vector<512x128xi32>
    %reduce_sum3A_873 = arith.constant dense<0> : vector<512xi32>
    %reduce_sum3A_874 = vector.multi_reduction <add>, %select_n3A_872, %reduce_sum3A_873 [1] : vector<512x128xi32> to vector<512xi32>
    %broadcast_in_dim3A_875 = vector.shape_cast %reduce_sum3A_874 : vector<512xi32> to vector<512x1xi32>
    %neg3A_876 = arith.constant 0 : i32
    %neg3A_877 = vector.broadcast %neg3A_876 : i32 to vector<512x1xi32>
    %neg3A_878 = arith.subi %neg3A_877, %broadcast_in_dim3A_875 : vector<512x1xi32>
    %and3A_879 = arith.andi %broadcast_in_dim3A_875, %neg3A_878 : vector<512x1xi32>
    %convert_element_type3A_880 = arith.sitofp %and3A_879 : vector<512x1xi32> to vector<512x1xf32>
    %bitcast_convert_type3A_881 = tpu.bitcast %convert_element_type3A_880 : vector<512x1xf32> -> vector<512x1xi32>
    %shift_right_arithmetic3A_882 = arith.constant 23 : i32
    %shift_right_arithmetic3A_883 = vector.broadcast %shift_right_arithmetic3A_882 : i32 to vector<512x1xi32>
    %shift_right_arithmetic3A_884 = arith.shrsi %bitcast_convert_type3A_881, %shift_right_arithmetic3A_883 : vector<512x1xi32>
    %sub3A_885 = arith.constant 127 : i32
    %sub3A_886 = vector.broadcast %sub3A_885 : i32 to vector<512x1xi32>
    %sub3A_887 = arith.subi %shift_right_arithmetic3A_884, %sub3A_886 : vector<512x1xi32>
    %mul3A_888 = arith.constant 16 : i32
    %mul3A_889 = vector.broadcast %mul3A_888 : i32 to vector<512x1xi32>
    %mul3A_890 = arith.muli %broadcast_in_dim3A_867, %mul3A_889 : vector<512x1xi32>
    %add3A_891 = arith.addi %mul3A_890, %sub3A_887 : vector<512x1xi32>
    %lt3A_892 = arith.constant 128 : i32
    %lt3A_893 = vector.broadcast %lt3A_892 : i32 to vector<512x1xi32>
    %lt3A_894 = arith.cmpi slt, %broadcast_in_dim3A_867, %lt3A_893 : vector<512x1xi32>
    %select_n3A_895 = arith.select %lt3A_894, %add3A_891, %select_n3A_97 : vector<512x1xi1>, vector<512x1xi32>
    %add3A_896 = vector.broadcast %mul3A_64 : i32 to vector<512x1xi32>
    %add3A_897 = arith.addi %select_n3A_895, %add3A_896 : vector<512x1xi32>
    %xor3A_898 = vector.broadcast %and3A_879 : vector<512x1xi32> to vector<512x128xi32>
    %xor3A_899 = arith.xori %select_n3A_858, %xor3A_898 : vector<512x128xi32>
    %select_n3A_900 = arith.select %eq3A_869, %xor3A_899, %select_n3A_858 : vector<512x128xi1>, vector<512x128xi32>
    %ne3A_901 = arith.constant 0 : i32
    %ne3A_902 = vector.broadcast %ne3A_901 : i32 to vector<512x128xi32>
    %ne3A_903 = arith.cmpi ne, %select_n3A_900, %ne3A_902 : vector<512x128xi32>
    %jit3A_904 = arith.constant 128 : i32
    %broadcast_in_dim3A_905 = vector.broadcast %jit3A_904 : i32 to vector<512x128xi32>
    %select_n3A_906 = arith.select %ne3A_903, %iota3A_62, %broadcast_in_dim3A_905 : vector<512x128xi1>, vector<512x128xi32>
    %reduce_min3A_907 = arith.constant dense<2147483647> : vector<512xi32>
    %reduce_min3A_908 = vector.multi_reduction <minsi>, %select_n3A_906, %reduce_min3A_907 [1] : vector<512x128xi32> to vector<512xi32>
    %broadcast_in_dim3A_909 = vector.shape_cast %reduce_min3A_908 : vector<512xi32> to vector<512x1xi32>
    %eq3A_910 = vector.broadcast %broadcast_in_dim3A_909 : vector<512x1xi32> to vector<512x128xi32>
    %eq3A_911 = arith.cmpi eq, %iota3A_62, %eq3A_910 : vector<512x128xi32>
    %jit3A_912 = arith.constant 0 : i32
    %broadcast_in_dim3A_913 = vector.broadcast %jit3A_912 : i32 to vector<512x128xi32>
    %select_n3A_914 = arith.select %eq3A_911, %select_n3A_900, %broadcast_in_dim3A_913 : vector<512x128xi1>, vector<512x128xi32>
    %reduce_sum3A_915 = arith.constant dense<0> : vector<512xi32>
    %reduce_sum3A_916 = vector.multi_reduction <add>, %select_n3A_914, %reduce_sum3A_915 [1] : vector<512x128xi32> to vector<512xi32>
    %broadcast_in_dim3A_917 = vector.shape_cast %reduce_sum3A_916 : vector<512xi32> to vector<512x1xi32>
    %neg3A_918 = arith.constant 0 : i32
    %neg3A_919 = vector.broadcast %neg3A_918 : i32 to vector<512x1xi32>
    %neg3A_920 = arith.subi %neg3A_919, %broadcast_in_dim3A_917 : vector<512x1xi32>
    %and3A_921 = arith.andi %broadcast_in_dim3A_917, %neg3A_920 : vector<512x1xi32>
    %convert_element_type3A_922 = arith.sitofp %and3A_921 : vector<512x1xi32> to vector<512x1xf32>
    %bitcast_convert_type3A_923 = tpu.bitcast %convert_element_type3A_922 : vector<512x1xf32> -> vector<512x1xi32>
    %shift_right_arithmetic3A_924 = arith.constant 23 : i32
    %shift_right_arithmetic3A_925 = vector.broadcast %shift_right_arithmetic3A_924 : i32 to vector<512x1xi32>
    %shift_right_arithmetic3A_926 = arith.shrsi %bitcast_convert_type3A_923, %shift_right_arithmetic3A_925 : vector<512x1xi32>
    %sub3A_927 = arith.constant 127 : i32
    %sub3A_928 = vector.broadcast %sub3A_927 : i32 to vector<512x1xi32>
    %sub3A_929 = arith.subi %shift_right_arithmetic3A_926, %sub3A_928 : vector<512x1xi32>
    %mul3A_930 = arith.constant 16 : i32
    %mul3A_931 = vector.broadcast %mul3A_930 : i32 to vector<512x1xi32>
    %mul3A_932 = arith.muli %broadcast_in_dim3A_909, %mul3A_931 : vector<512x1xi32>
    %add3A_933 = arith.addi %mul3A_932, %sub3A_929 : vector<512x1xi32>
    %lt3A_934 = arith.constant 128 : i32
    %lt3A_935 = vector.broadcast %lt3A_934 : i32 to vector<512x1xi32>
    %lt3A_936 = arith.cmpi slt, %broadcast_in_dim3A_909, %lt3A_935 : vector<512x1xi32>
    %select_n3A_937 = arith.select %lt3A_936, %add3A_933, %select_n3A_97 : vector<512x1xi1>, vector<512x1xi32>
    %add3A_938 = vector.broadcast %mul3A_64 : i32 to vector<512x1xi32>
    %add3A_939 = arith.addi %select_n3A_937, %add3A_938 : vector<512x1xi32>
    %xor3A_940 = vector.broadcast %and3A_921 : vector<512x1xi32> to vector<512x128xi32>
    %xor3A_941 = arith.xori %select_n3A_900, %xor3A_940 : vector<512x128xi32>
    %select_n3A_942 = arith.select %eq3A_911, %xor3A_941, %select_n3A_900 : vector<512x128xi1>, vector<512x128xi32>
    %ne3A_943 = arith.constant 0 : i32
    %ne3A_944 = vector.broadcast %ne3A_943 : i32 to vector<512x128xi32>
    %ne3A_945 = arith.cmpi ne, %select_n3A_942, %ne3A_944 : vector<512x128xi32>
    %jit3A_946 = arith.constant 128 : i32
    %broadcast_in_dim3A_947 = vector.broadcast %jit3A_946 : i32 to vector<512x128xi32>
    %select_n3A_948 = arith.select %ne3A_945, %iota3A_62, %broadcast_in_dim3A_947 : vector<512x128xi1>, vector<512x128xi32>
    %reduce_min3A_949 = arith.constant dense<2147483647> : vector<512xi32>
    %reduce_min3A_950 = vector.multi_reduction <minsi>, %select_n3A_948, %reduce_min3A_949 [1] : vector<512x128xi32> to vector<512xi32>
    %broadcast_in_dim3A_951 = vector.shape_cast %reduce_min3A_950 : vector<512xi32> to vector<512x1xi32>
    %eq3A_952 = vector.broadcast %broadcast_in_dim3A_951 : vector<512x1xi32> to vector<512x128xi32>
    %eq3A_953 = arith.cmpi eq, %iota3A_62, %eq3A_952 : vector<512x128xi32>
    %jit3A_954 = arith.constant 0 : i32
    %broadcast_in_dim3A_955 = vector.broadcast %jit3A_954 : i32 to vector<512x128xi32>
    %select_n3A_956 = arith.select %eq3A_953, %select_n3A_942, %broadcast_in_dim3A_955 : vector<512x128xi1>, vector<512x128xi32>
    %reduce_sum3A_957 = arith.constant dense<0> : vector<512xi32>
    %reduce_sum3A_958 = vector.multi_reduction <add>, %select_n3A_956, %reduce_sum3A_957 [1] : vector<512x128xi32> to vector<512xi32>
    %broadcast_in_dim3A_959 = vector.shape_cast %reduce_sum3A_958 : vector<512xi32> to vector<512x1xi32>
    %neg3A_960 = arith.constant 0 : i32
    %neg3A_961 = vector.broadcast %neg3A_960 : i32 to vector<512x1xi32>
    %neg3A_962 = arith.subi %neg3A_961, %broadcast_in_dim3A_959 : vector<512x1xi32>
    %and3A_963 = arith.andi %broadcast_in_dim3A_959, %neg3A_962 : vector<512x1xi32>
    %convert_element_type3A_964 = arith.sitofp %and3A_963 : vector<512x1xi32> to vector<512x1xf32>
    %bitcast_convert_type3A_965 = tpu.bitcast %convert_element_type3A_964 : vector<512x1xf32> -> vector<512x1xi32>
    %shift_right_arithmetic3A_966 = arith.constant 23 : i32
    %shift_right_arithmetic3A_967 = vector.broadcast %shift_right_arithmetic3A_966 : i32 to vector<512x1xi32>
    %shift_right_arithmetic3A_968 = arith.shrsi %bitcast_convert_type3A_965, %shift_right_arithmetic3A_967 : vector<512x1xi32>
    %sub3A_969 = arith.constant 127 : i32
    %sub3A_970 = vector.broadcast %sub3A_969 : i32 to vector<512x1xi32>
    %sub3A_971 = arith.subi %shift_right_arithmetic3A_968, %sub3A_970 : vector<512x1xi32>
    %mul3A_972 = arith.constant 16 : i32
    %mul3A_973 = vector.broadcast %mul3A_972 : i32 to vector<512x1xi32>
    %mul3A_974 = arith.muli %broadcast_in_dim3A_951, %mul3A_973 : vector<512x1xi32>
    %add3A_975 = arith.addi %mul3A_974, %sub3A_971 : vector<512x1xi32>
    %lt3A_976 = arith.constant 128 : i32
    %lt3A_977 = vector.broadcast %lt3A_976 : i32 to vector<512x1xi32>
    %lt3A_978 = arith.cmpi slt, %broadcast_in_dim3A_951, %lt3A_977 : vector<512x1xi32>
    %select_n3A_979 = arith.select %lt3A_978, %add3A_975, %select_n3A_97 : vector<512x1xi1>, vector<512x1xi32>
    %add3A_980 = vector.broadcast %mul3A_64 : i32 to vector<512x1xi32>
    %add3A_981 = arith.addi %select_n3A_979, %add3A_980 : vector<512x1xi32>
    %xor3A_982 = vector.broadcast %and3A_963 : vector<512x1xi32> to vector<512x128xi32>
    %xor3A_983 = arith.xori %select_n3A_942, %xor3A_982 : vector<512x128xi32>
    %select_n3A_984 = arith.select %eq3A_953, %xor3A_983, %select_n3A_942 : vector<512x128xi1>, vector<512x128xi32>
    %ne3A_985 = arith.constant 0 : i32
    %ne3A_986 = vector.broadcast %ne3A_985 : i32 to vector<512x128xi32>
    %ne3A_987 = arith.cmpi ne, %select_n3A_984, %ne3A_986 : vector<512x128xi32>
    %jit3A_988 = arith.constant 128 : i32
    %broadcast_in_dim3A_989 = vector.broadcast %jit3A_988 : i32 to vector<512x128xi32>
    %select_n3A_990 = arith.select %ne3A_987, %iota3A_62, %broadcast_in_dim3A_989 : vector<512x128xi1>, vector<512x128xi32>
    %reduce_min3A_991 = arith.constant dense<2147483647> : vector<512xi32>
    %reduce_min3A_992 = vector.multi_reduction <minsi>, %select_n3A_990, %reduce_min3A_991 [1] : vector<512x128xi32> to vector<512xi32>
    %broadcast_in_dim3A_993 = vector.shape_cast %reduce_min3A_992 : vector<512xi32> to vector<512x1xi32>
    %eq3A_994 = vector.broadcast %broadcast_in_dim3A_993 : vector<512x1xi32> to vector<512x128xi32>
    %eq3A_995 = arith.cmpi eq, %iota3A_62, %eq3A_994 : vector<512x128xi32>
    %jit3A_996 = arith.constant 0 : i32
    %broadcast_in_dim3A_997 = vector.broadcast %jit3A_996 : i32 to vector<512x128xi32>
    %select_n3A_998 = arith.select %eq3A_995, %select_n3A_984, %broadcast_in_dim3A_997 : vector<512x128xi1>, vector<512x128xi32>
    %reduce_sum3A_999 = arith.constant dense<0> : vector<512xi32>
    %reduce_sum3A_1000 = vector.multi_reduction <add>, %select_n3A_998, %reduce_sum3A_999 [1] : vector<512x128xi32> to vector<512xi32>
    %broadcast_in_dim3A_1001 = vector.shape_cast %reduce_sum3A_1000 : vector<512xi32> to vector<512x1xi32>
    %neg3A_1002 = arith.constant 0 : i32
    %neg3A_1003 = vector.broadcast %neg3A_1002 : i32 to vector<512x1xi32>
    %neg3A_1004 = arith.subi %neg3A_1003, %broadcast_in_dim3A_1001 : vector<512x1xi32>
    %and3A_1005 = arith.andi %broadcast_in_dim3A_1001, %neg3A_1004 : vector<512x1xi32>
    %convert_element_type3A_1006 = arith.sitofp %and3A_1005 : vector<512x1xi32> to vector<512x1xf32>
    %bitcast_convert_type3A_1007 = tpu.bitcast %convert_element_type3A_1006 : vector<512x1xf32> -> vector<512x1xi32>
    %shift_right_arithmetic3A_1008 = arith.constant 23 : i32
    %shift_right_arithmetic3A_1009 = vector.broadcast %shift_right_arithmetic3A_1008 : i32 to vector<512x1xi32>
    %shift_right_arithmetic3A_1010 = arith.shrsi %bitcast_convert_type3A_1007, %shift_right_arithmetic3A_1009 : vector<512x1xi32>
    %sub3A_1011 = arith.constant 127 : i32
    %sub3A_1012 = vector.broadcast %sub3A_1011 : i32 to vector<512x1xi32>
    %sub3A_1013 = arith.subi %shift_right_arithmetic3A_1010, %sub3A_1012 : vector<512x1xi32>
    %mul3A_1014 = arith.constant 16 : i32
    %mul3A_1015 = vector.broadcast %mul3A_1014 : i32 to vector<512x1xi32>
    %mul3A_1016 = arith.muli %broadcast_in_dim3A_993, %mul3A_1015 : vector<512x1xi32>
    %add3A_1017 = arith.addi %mul3A_1016, %sub3A_1013 : vector<512x1xi32>
    %lt3A_1018 = arith.constant 128 : i32
    %lt3A_1019 = vector.broadcast %lt3A_1018 : i32 to vector<512x1xi32>
    %lt3A_1020 = arith.cmpi slt, %broadcast_in_dim3A_993, %lt3A_1019 : vector<512x1xi32>
    %select_n3A_1021 = arith.select %lt3A_1020, %add3A_1017, %select_n3A_97 : vector<512x1xi1>, vector<512x1xi32>
    %add3A_1022 = vector.broadcast %mul3A_64 : i32 to vector<512x1xi32>
    %add3A_1023 = arith.addi %select_n3A_1021, %add3A_1022 : vector<512x1xi32>
    %xor3A_1024 = vector.broadcast %and3A_1005 : vector<512x1xi32> to vector<512x128xi32>
    %xor3A_1025 = arith.xori %select_n3A_984, %xor3A_1024 : vector<512x128xi32>
    %select_n3A_1026 = arith.select %eq3A_995, %xor3A_1025, %select_n3A_984 : vector<512x128xi1>, vector<512x128xi32>
    %ne3A_1027 = arith.constant 0 : i32
    %ne3A_1028 = vector.broadcast %ne3A_1027 : i32 to vector<512x128xi32>
    %ne3A_1029 = arith.cmpi ne, %select_n3A_1026, %ne3A_1028 : vector<512x128xi32>
    %jit3A_1030 = arith.constant 128 : i32
    %broadcast_in_dim3A_1031 = vector.broadcast %jit3A_1030 : i32 to vector<512x128xi32>
    %select_n3A_1032 = arith.select %ne3A_1029, %iota3A_62, %broadcast_in_dim3A_1031 : vector<512x128xi1>, vector<512x128xi32>
    %reduce_min3A_1033 = arith.constant dense<2147483647> : vector<512xi32>
    %reduce_min3A_1034 = vector.multi_reduction <minsi>, %select_n3A_1032, %reduce_min3A_1033 [1] : vector<512x128xi32> to vector<512xi32>
    %broadcast_in_dim3A_1035 = vector.shape_cast %reduce_min3A_1034 : vector<512xi32> to vector<512x1xi32>
    %eq3A_1036 = vector.broadcast %broadcast_in_dim3A_1035 : vector<512x1xi32> to vector<512x128xi32>
    %eq3A_1037 = arith.cmpi eq, %iota3A_62, %eq3A_1036 : vector<512x128xi32>
    %jit3A_1038 = arith.constant 0 : i32
    %broadcast_in_dim3A_1039 = vector.broadcast %jit3A_1038 : i32 to vector<512x128xi32>
    %select_n3A_1040 = arith.select %eq3A_1037, %select_n3A_1026, %broadcast_in_dim3A_1039 : vector<512x128xi1>, vector<512x128xi32>
    %reduce_sum3A_1041 = arith.constant dense<0> : vector<512xi32>
    %reduce_sum3A_1042 = vector.multi_reduction <add>, %select_n3A_1040, %reduce_sum3A_1041 [1] : vector<512x128xi32> to vector<512xi32>
    %broadcast_in_dim3A_1043 = vector.shape_cast %reduce_sum3A_1042 : vector<512xi32> to vector<512x1xi32>
    %neg3A_1044 = arith.constant 0 : i32
    %neg3A_1045 = vector.broadcast %neg3A_1044 : i32 to vector<512x1xi32>
    %neg3A_1046 = arith.subi %neg3A_1045, %broadcast_in_dim3A_1043 : vector<512x1xi32>
    %and3A_1047 = arith.andi %broadcast_in_dim3A_1043, %neg3A_1046 : vector<512x1xi32>
    %convert_element_type3A_1048 = arith.sitofp %and3A_1047 : vector<512x1xi32> to vector<512x1xf32>
    %bitcast_convert_type3A_1049 = tpu.bitcast %convert_element_type3A_1048 : vector<512x1xf32> -> vector<512x1xi32>
    %shift_right_arithmetic3A_1050 = arith.constant 23 : i32
    %shift_right_arithmetic3A_1051 = vector.broadcast %shift_right_arithmetic3A_1050 : i32 to vector<512x1xi32>
    %shift_right_arithmetic3A_1052 = arith.shrsi %bitcast_convert_type3A_1049, %shift_right_arithmetic3A_1051 : vector<512x1xi32>
    %sub3A_1053 = arith.constant 127 : i32
    %sub3A_1054 = vector.broadcast %sub3A_1053 : i32 to vector<512x1xi32>
    %sub3A_1055 = arith.subi %shift_right_arithmetic3A_1052, %sub3A_1054 : vector<512x1xi32>
    %mul3A_1056 = arith.constant 16 : i32
    %mul3A_1057 = vector.broadcast %mul3A_1056 : i32 to vector<512x1xi32>
    %mul3A_1058 = arith.muli %broadcast_in_dim3A_1035, %mul3A_1057 : vector<512x1xi32>
    %add3A_1059 = arith.addi %mul3A_1058, %sub3A_1055 : vector<512x1xi32>
    %lt3A_1060 = arith.constant 128 : i32
    %lt3A_1061 = vector.broadcast %lt3A_1060 : i32 to vector<512x1xi32>
    %lt3A_1062 = arith.cmpi slt, %broadcast_in_dim3A_1035, %lt3A_1061 : vector<512x1xi32>
    %select_n3A_1063 = arith.select %lt3A_1062, %add3A_1059, %select_n3A_97 : vector<512x1xi1>, vector<512x1xi32>
    %add3A_1064 = vector.broadcast %mul3A_64 : i32 to vector<512x1xi32>
    %add3A_1065 = arith.addi %select_n3A_1063, %add3A_1064 : vector<512x1xi32>
    %xor3A_1066 = vector.broadcast %and3A_1047 : vector<512x1xi32> to vector<512x128xi32>
    %xor3A_1067 = arith.xori %select_n3A_1026, %xor3A_1066 : vector<512x128xi32>
    %select_n3A_1068 = arith.select %eq3A_1037, %xor3A_1067, %select_n3A_1026 : vector<512x128xi1>, vector<512x128xi32>
    %ne3A_1069 = arith.constant 0 : i32
    %ne3A_1070 = vector.broadcast %ne3A_1069 : i32 to vector<512x128xi32>
    %ne3A_1071 = arith.cmpi ne, %select_n3A_1068, %ne3A_1070 : vector<512x128xi32>
    %jit3A_1072 = arith.constant 128 : i32
    %broadcast_in_dim3A_1073 = vector.broadcast %jit3A_1072 : i32 to vector<512x128xi32>
    %select_n3A_1074 = arith.select %ne3A_1071, %iota3A_62, %broadcast_in_dim3A_1073 : vector<512x128xi1>, vector<512x128xi32>
    %reduce_min3A_1075 = arith.constant dense<2147483647> : vector<512xi32>
    %reduce_min3A_1076 = vector.multi_reduction <minsi>, %select_n3A_1074, %reduce_min3A_1075 [1] : vector<512x128xi32> to vector<512xi32>
    %broadcast_in_dim3A_1077 = vector.shape_cast %reduce_min3A_1076 : vector<512xi32> to vector<512x1xi32>
    %eq3A_1078 = vector.broadcast %broadcast_in_dim3A_1077 : vector<512x1xi32> to vector<512x128xi32>
    %eq3A_1079 = arith.cmpi eq, %iota3A_62, %eq3A_1078 : vector<512x128xi32>
    %jit3A_1080 = arith.constant 0 : i32
    %broadcast_in_dim3A_1081 = vector.broadcast %jit3A_1080 : i32 to vector<512x128xi32>
    %select_n3A_1082 = arith.select %eq3A_1079, %select_n3A_1068, %broadcast_in_dim3A_1081 : vector<512x128xi1>, vector<512x128xi32>
    %reduce_sum3A_1083 = arith.constant dense<0> : vector<512xi32>
    %reduce_sum3A_1084 = vector.multi_reduction <add>, %select_n3A_1082, %reduce_sum3A_1083 [1] : vector<512x128xi32> to vector<512xi32>
    %broadcast_in_dim3A_1085 = vector.shape_cast %reduce_sum3A_1084 : vector<512xi32> to vector<512x1xi32>
    %neg3A_1086 = arith.constant 0 : i32
    %neg3A_1087 = vector.broadcast %neg3A_1086 : i32 to vector<512x1xi32>
    %neg3A_1088 = arith.subi %neg3A_1087, %broadcast_in_dim3A_1085 : vector<512x1xi32>
    %and3A_1089 = arith.andi %broadcast_in_dim3A_1085, %neg3A_1088 : vector<512x1xi32>
    %convert_element_type3A_1090 = arith.sitofp %and3A_1089 : vector<512x1xi32> to vector<512x1xf32>
    %bitcast_convert_type3A_1091 = tpu.bitcast %convert_element_type3A_1090 : vector<512x1xf32> -> vector<512x1xi32>
    %shift_right_arithmetic3A_1092 = arith.constant 23 : i32
    %shift_right_arithmetic3A_1093 = vector.broadcast %shift_right_arithmetic3A_1092 : i32 to vector<512x1xi32>
    %shift_right_arithmetic3A_1094 = arith.shrsi %bitcast_convert_type3A_1091, %shift_right_arithmetic3A_1093 : vector<512x1xi32>
    %sub3A_1095 = arith.constant 127 : i32
    %sub3A_1096 = vector.broadcast %sub3A_1095 : i32 to vector<512x1xi32>
    %sub3A_1097 = arith.subi %shift_right_arithmetic3A_1094, %sub3A_1096 : vector<512x1xi32>
    %mul3A_1098 = arith.constant 16 : i32
    %mul3A_1099 = vector.broadcast %mul3A_1098 : i32 to vector<512x1xi32>
    %mul3A_1100 = arith.muli %broadcast_in_dim3A_1077, %mul3A_1099 : vector<512x1xi32>
    %add3A_1101 = arith.addi %mul3A_1100, %sub3A_1097 : vector<512x1xi32>
    %lt3A_1102 = arith.constant 128 : i32
    %lt3A_1103 = vector.broadcast %lt3A_1102 : i32 to vector<512x1xi32>
    %lt3A_1104 = arith.cmpi slt, %broadcast_in_dim3A_1077, %lt3A_1103 : vector<512x1xi32>
    %select_n3A_1105 = arith.select %lt3A_1104, %add3A_1101, %select_n3A_97 : vector<512x1xi1>, vector<512x1xi32>
    %add3A_1106 = vector.broadcast %mul3A_64 : i32 to vector<512x1xi32>
    %add3A_1107 = arith.addi %select_n3A_1105, %add3A_1106 : vector<512x1xi32>
    %xor3A_1108 = vector.broadcast %and3A_1089 : vector<512x1xi32> to vector<512x128xi32>
    %xor3A_1109 = arith.xori %select_n3A_1068, %xor3A_1108 : vector<512x128xi32>
    %select_n3A_1110 = arith.select %eq3A_1079, %xor3A_1109, %select_n3A_1068 : vector<512x128xi1>, vector<512x128xi32>
    %ne3A_1111 = arith.constant 0 : i32
    %ne3A_1112 = vector.broadcast %ne3A_1111 : i32 to vector<512x128xi32>
    %ne3A_1113 = arith.cmpi ne, %select_n3A_1110, %ne3A_1112 : vector<512x128xi32>
    %jit3A_1114 = arith.constant 128 : i32
    %broadcast_in_dim3A_1115 = vector.broadcast %jit3A_1114 : i32 to vector<512x128xi32>
    %select_n3A_1116 = arith.select %ne3A_1113, %iota3A_62, %broadcast_in_dim3A_1115 : vector<512x128xi1>, vector<512x128xi32>
    %reduce_min3A_1117 = arith.constant dense<2147483647> : vector<512xi32>
    %reduce_min3A_1118 = vector.multi_reduction <minsi>, %select_n3A_1116, %reduce_min3A_1117 [1] : vector<512x128xi32> to vector<512xi32>
    %broadcast_in_dim3A_1119 = vector.shape_cast %reduce_min3A_1118 : vector<512xi32> to vector<512x1xi32>
    %eq3A_1120 = vector.broadcast %broadcast_in_dim3A_1119 : vector<512x1xi32> to vector<512x128xi32>
    %eq3A_1121 = arith.cmpi eq, %iota3A_62, %eq3A_1120 : vector<512x128xi32>
    %jit3A_1122 = arith.constant 0 : i32
    %broadcast_in_dim3A_1123 = vector.broadcast %jit3A_1122 : i32 to vector<512x128xi32>
    %select_n3A_1124 = arith.select %eq3A_1121, %select_n3A_1110, %broadcast_in_dim3A_1123 : vector<512x128xi1>, vector<512x128xi32>
    %reduce_sum3A_1125 = arith.constant dense<0> : vector<512xi32>
    %reduce_sum3A_1126 = vector.multi_reduction <add>, %select_n3A_1124, %reduce_sum3A_1125 [1] : vector<512x128xi32> to vector<512xi32>
    %broadcast_in_dim3A_1127 = vector.shape_cast %reduce_sum3A_1126 : vector<512xi32> to vector<512x1xi32>
    %neg3A_1128 = arith.constant 0 : i32
    %neg3A_1129 = vector.broadcast %neg3A_1128 : i32 to vector<512x1xi32>
    %neg3A_1130 = arith.subi %neg3A_1129, %broadcast_in_dim3A_1127 : vector<512x1xi32>
    %and3A_1131 = arith.andi %broadcast_in_dim3A_1127, %neg3A_1130 : vector<512x1xi32>
    %convert_element_type3A_1132 = arith.sitofp %and3A_1131 : vector<512x1xi32> to vector<512x1xf32>
    %bitcast_convert_type3A_1133 = tpu.bitcast %convert_element_type3A_1132 : vector<512x1xf32> -> vector<512x1xi32>
    %shift_right_arithmetic3A_1134 = arith.constant 23 : i32
    %shift_right_arithmetic3A_1135 = vector.broadcast %shift_right_arithmetic3A_1134 : i32 to vector<512x1xi32>
    %shift_right_arithmetic3A_1136 = arith.shrsi %bitcast_convert_type3A_1133, %shift_right_arithmetic3A_1135 : vector<512x1xi32>
    %sub3A_1137 = arith.constant 127 : i32
    %sub3A_1138 = vector.broadcast %sub3A_1137 : i32 to vector<512x1xi32>
    %sub3A_1139 = arith.subi %shift_right_arithmetic3A_1136, %sub3A_1138 : vector<512x1xi32>
    %mul3A_1140 = arith.constant 16 : i32
    %mul3A_1141 = vector.broadcast %mul3A_1140 : i32 to vector<512x1xi32>
    %mul3A_1142 = arith.muli %broadcast_in_dim3A_1119, %mul3A_1141 : vector<512x1xi32>
    %add3A_1143 = arith.addi %mul3A_1142, %sub3A_1139 : vector<512x1xi32>
    %lt3A_1144 = arith.constant 128 : i32
    %lt3A_1145 = vector.broadcast %lt3A_1144 : i32 to vector<512x1xi32>
    %lt3A_1146 = arith.cmpi slt, %broadcast_in_dim3A_1119, %lt3A_1145 : vector<512x1xi32>
    %select_n3A_1147 = arith.select %lt3A_1146, %add3A_1143, %select_n3A_97 : vector<512x1xi1>, vector<512x1xi32>
    %add3A_1148 = vector.broadcast %mul3A_64 : i32 to vector<512x1xi32>
    %add3A_1149 = arith.addi %select_n3A_1147, %add3A_1148 : vector<512x1xi32>
    %xor3A_1150 = vector.broadcast %and3A_1131 : vector<512x1xi32> to vector<512x128xi32>
    %xor3A_1151 = arith.xori %select_n3A_1110, %xor3A_1150 : vector<512x128xi32>
    %select_n3A_1152 = arith.select %eq3A_1121, %xor3A_1151, %select_n3A_1110 : vector<512x128xi1>, vector<512x128xi32>
    %ne3A_1153 = arith.constant 0 : i32
    %ne3A_1154 = vector.broadcast %ne3A_1153 : i32 to vector<512x128xi32>
    %ne3A_1155 = arith.cmpi ne, %select_n3A_1152, %ne3A_1154 : vector<512x128xi32>
    %jit3A_1156 = arith.constant 128 : i32
    %broadcast_in_dim3A_1157 = vector.broadcast %jit3A_1156 : i32 to vector<512x128xi32>
    %select_n3A_1158 = arith.select %ne3A_1155, %iota3A_62, %broadcast_in_dim3A_1157 : vector<512x128xi1>, vector<512x128xi32>
    %reduce_min3A_1159 = arith.constant dense<2147483647> : vector<512xi32>
    %reduce_min3A_1160 = vector.multi_reduction <minsi>, %select_n3A_1158, %reduce_min3A_1159 [1] : vector<512x128xi32> to vector<512xi32>
    %broadcast_in_dim3A_1161 = vector.shape_cast %reduce_min3A_1160 : vector<512xi32> to vector<512x1xi32>
    %eq3A_1162 = vector.broadcast %broadcast_in_dim3A_1161 : vector<512x1xi32> to vector<512x128xi32>
    %eq3A_1163 = arith.cmpi eq, %iota3A_62, %eq3A_1162 : vector<512x128xi32>
    %jit3A_1164 = arith.constant 0 : i32
    %broadcast_in_dim3A_1165 = vector.broadcast %jit3A_1164 : i32 to vector<512x128xi32>
    %select_n3A_1166 = arith.select %eq3A_1163, %select_n3A_1152, %broadcast_in_dim3A_1165 : vector<512x128xi1>, vector<512x128xi32>
    %reduce_sum3A_1167 = arith.constant dense<0> : vector<512xi32>
    %reduce_sum3A_1168 = vector.multi_reduction <add>, %select_n3A_1166, %reduce_sum3A_1167 [1] : vector<512x128xi32> to vector<512xi32>
    %broadcast_in_dim3A_1169 = vector.shape_cast %reduce_sum3A_1168 : vector<512xi32> to vector<512x1xi32>
    %neg3A_1170 = arith.constant 0 : i32
    %neg3A_1171 = vector.broadcast %neg3A_1170 : i32 to vector<512x1xi32>
    %neg3A_1172 = arith.subi %neg3A_1171, %broadcast_in_dim3A_1169 : vector<512x1xi32>
    %and3A_1173 = arith.andi %broadcast_in_dim3A_1169, %neg3A_1172 : vector<512x1xi32>
    %convert_element_type3A_1174 = arith.sitofp %and3A_1173 : vector<512x1xi32> to vector<512x1xf32>
    %bitcast_convert_type3A_1175 = tpu.bitcast %convert_element_type3A_1174 : vector<512x1xf32> -> vector<512x1xi32>
    %shift_right_arithmetic3A_1176 = arith.constant 23 : i32
    %shift_right_arithmetic3A_1177 = vector.broadcast %shift_right_arithmetic3A_1176 : i32 to vector<512x1xi32>
    %shift_right_arithmetic3A_1178 = arith.shrsi %bitcast_convert_type3A_1175, %shift_right_arithmetic3A_1177 : vector<512x1xi32>
    %sub3A_1179 = arith.constant 127 : i32
    %sub3A_1180 = vector.broadcast %sub3A_1179 : i32 to vector<512x1xi32>
    %sub3A_1181 = arith.subi %shift_right_arithmetic3A_1178, %sub3A_1180 : vector<512x1xi32>
    %mul3A_1182 = arith.constant 16 : i32
    %mul3A_1183 = vector.broadcast %mul3A_1182 : i32 to vector<512x1xi32>
    %mul3A_1184 = arith.muli %broadcast_in_dim3A_1161, %mul3A_1183 : vector<512x1xi32>
    %add3A_1185 = arith.addi %mul3A_1184, %sub3A_1181 : vector<512x1xi32>
    %lt3A_1186 = arith.constant 128 : i32
    %lt3A_1187 = vector.broadcast %lt3A_1186 : i32 to vector<512x1xi32>
    %lt3A_1188 = arith.cmpi slt, %broadcast_in_dim3A_1161, %lt3A_1187 : vector<512x1xi32>
    %select_n3A_1189 = arith.select %lt3A_1188, %add3A_1185, %select_n3A_97 : vector<512x1xi1>, vector<512x1xi32>
    %add3A_1190 = vector.broadcast %mul3A_64 : i32 to vector<512x1xi32>
    %add3A_1191 = arith.addi %select_n3A_1189, %add3A_1190 : vector<512x1xi32>
    %xor3A_1192 = vector.broadcast %and3A_1173 : vector<512x1xi32> to vector<512x128xi32>
    %xor3A_1193 = arith.xori %select_n3A_1152, %xor3A_1192 : vector<512x128xi32>
    %select_n3A_1194 = arith.select %eq3A_1163, %xor3A_1193, %select_n3A_1152 : vector<512x128xi1>, vector<512x128xi32>
    %ne3A_1195 = arith.constant 0 : i32
    %ne3A_1196 = vector.broadcast %ne3A_1195 : i32 to vector<512x128xi32>
    %ne3A_1197 = arith.cmpi ne, %select_n3A_1194, %ne3A_1196 : vector<512x128xi32>
    %jit3A_1198 = arith.constant 128 : i32
    %broadcast_in_dim3A_1199 = vector.broadcast %jit3A_1198 : i32 to vector<512x128xi32>
    %select_n3A_1200 = arith.select %ne3A_1197, %iota3A_62, %broadcast_in_dim3A_1199 : vector<512x128xi1>, vector<512x128xi32>
    %reduce_min3A_1201 = arith.constant dense<2147483647> : vector<512xi32>
    %reduce_min3A_1202 = vector.multi_reduction <minsi>, %select_n3A_1200, %reduce_min3A_1201 [1] : vector<512x128xi32> to vector<512xi32>
    %broadcast_in_dim3A_1203 = vector.shape_cast %reduce_min3A_1202 : vector<512xi32> to vector<512x1xi32>
    %eq3A_1204 = vector.broadcast %broadcast_in_dim3A_1203 : vector<512x1xi32> to vector<512x128xi32>
    %eq3A_1205 = arith.cmpi eq, %iota3A_62, %eq3A_1204 : vector<512x128xi32>
    %jit3A_1206 = arith.constant 0 : i32
    %broadcast_in_dim3A_1207 = vector.broadcast %jit3A_1206 : i32 to vector<512x128xi32>
    %select_n3A_1208 = arith.select %eq3A_1205, %select_n3A_1194, %broadcast_in_dim3A_1207 : vector<512x128xi1>, vector<512x128xi32>
    %reduce_sum3A_1209 = arith.constant dense<0> : vector<512xi32>
    %reduce_sum3A_1210 = vector.multi_reduction <add>, %select_n3A_1208, %reduce_sum3A_1209 [1] : vector<512x128xi32> to vector<512xi32>
    %broadcast_in_dim3A_1211 = vector.shape_cast %reduce_sum3A_1210 : vector<512xi32> to vector<512x1xi32>
    %neg3A_1212 = arith.constant 0 : i32
    %neg3A_1213 = vector.broadcast %neg3A_1212 : i32 to vector<512x1xi32>
    %neg3A_1214 = arith.subi %neg3A_1213, %broadcast_in_dim3A_1211 : vector<512x1xi32>
    %and3A_1215 = arith.andi %broadcast_in_dim3A_1211, %neg3A_1214 : vector<512x1xi32>
    %convert_element_type3A_1216 = arith.sitofp %and3A_1215 : vector<512x1xi32> to vector<512x1xf32>
    %bitcast_convert_type3A_1217 = tpu.bitcast %convert_element_type3A_1216 : vector<512x1xf32> -> vector<512x1xi32>
    %shift_right_arithmetic3A_1218 = arith.constant 23 : i32
    %shift_right_arithmetic3A_1219 = vector.broadcast %shift_right_arithmetic3A_1218 : i32 to vector<512x1xi32>
    %shift_right_arithmetic3A_1220 = arith.shrsi %bitcast_convert_type3A_1217, %shift_right_arithmetic3A_1219 : vector<512x1xi32>
    %sub3A_1221 = arith.constant 127 : i32
    %sub3A_1222 = vector.broadcast %sub3A_1221 : i32 to vector<512x1xi32>
    %sub3A_1223 = arith.subi %shift_right_arithmetic3A_1220, %sub3A_1222 : vector<512x1xi32>
    %mul3A_1224 = arith.constant 16 : i32
    %mul3A_1225 = vector.broadcast %mul3A_1224 : i32 to vector<512x1xi32>
    %mul3A_1226 = arith.muli %broadcast_in_dim3A_1203, %mul3A_1225 : vector<512x1xi32>
    %add3A_1227 = arith.addi %mul3A_1226, %sub3A_1223 : vector<512x1xi32>
    %lt3A_1228 = arith.constant 128 : i32
    %lt3A_1229 = vector.broadcast %lt3A_1228 : i32 to vector<512x1xi32>
    %lt3A_1230 = arith.cmpi slt, %broadcast_in_dim3A_1203, %lt3A_1229 : vector<512x1xi32>
    %select_n3A_1231 = arith.select %lt3A_1230, %add3A_1227, %select_n3A_97 : vector<512x1xi1>, vector<512x1xi32>
    %add3A_1232 = vector.broadcast %mul3A_64 : i32 to vector<512x1xi32>
    %add3A_1233 = arith.addi %select_n3A_1231, %add3A_1232 : vector<512x1xi32>
    %xor3A_1234 = vector.broadcast %and3A_1215 : vector<512x1xi32> to vector<512x128xi32>
    %xor3A_1235 = arith.xori %select_n3A_1194, %xor3A_1234 : vector<512x128xi32>
    %select_n3A_1236 = arith.select %eq3A_1205, %xor3A_1235, %select_n3A_1194 : vector<512x128xi1>, vector<512x128xi32>
    %ne3A_1237 = arith.constant 0 : i32
    %ne3A_1238 = vector.broadcast %ne3A_1237 : i32 to vector<512x128xi32>
    %ne3A_1239 = arith.cmpi ne, %select_n3A_1236, %ne3A_1238 : vector<512x128xi32>
    %jit3A_1240 = arith.constant 128 : i32
    %broadcast_in_dim3A_1241 = vector.broadcast %jit3A_1240 : i32 to vector<512x128xi32>
    %select_n3A_1242 = arith.select %ne3A_1239, %iota3A_62, %broadcast_in_dim3A_1241 : vector<512x128xi1>, vector<512x128xi32>
    %reduce_min3A_1243 = arith.constant dense<2147483647> : vector<512xi32>
    %reduce_min3A_1244 = vector.multi_reduction <minsi>, %select_n3A_1242, %reduce_min3A_1243 [1] : vector<512x128xi32> to vector<512xi32>
    %broadcast_in_dim3A_1245 = vector.shape_cast %reduce_min3A_1244 : vector<512xi32> to vector<512x1xi32>
    %eq3A_1246 = vector.broadcast %broadcast_in_dim3A_1245 : vector<512x1xi32> to vector<512x128xi32>
    %eq3A_1247 = arith.cmpi eq, %iota3A_62, %eq3A_1246 : vector<512x128xi32>
    %jit3A_1248 = arith.constant 0 : i32
    %broadcast_in_dim3A_1249 = vector.broadcast %jit3A_1248 : i32 to vector<512x128xi32>
    %select_n3A_1250 = arith.select %eq3A_1247, %select_n3A_1236, %broadcast_in_dim3A_1249 : vector<512x128xi1>, vector<512x128xi32>
    %reduce_sum3A_1251 = arith.constant dense<0> : vector<512xi32>
    %reduce_sum3A_1252 = vector.multi_reduction <add>, %select_n3A_1250, %reduce_sum3A_1251 [1] : vector<512x128xi32> to vector<512xi32>
    %broadcast_in_dim3A_1253 = vector.shape_cast %reduce_sum3A_1252 : vector<512xi32> to vector<512x1xi32>
    %neg3A_1254 = arith.constant 0 : i32
    %neg3A_1255 = vector.broadcast %neg3A_1254 : i32 to vector<512x1xi32>
    %neg3A_1256 = arith.subi %neg3A_1255, %broadcast_in_dim3A_1253 : vector<512x1xi32>
    %and3A_1257 = arith.andi %broadcast_in_dim3A_1253, %neg3A_1256 : vector<512x1xi32>
    %convert_element_type3A_1258 = arith.sitofp %and3A_1257 : vector<512x1xi32> to vector<512x1xf32>
    %bitcast_convert_type3A_1259 = tpu.bitcast %convert_element_type3A_1258 : vector<512x1xf32> -> vector<512x1xi32>
    %shift_right_arithmetic3A_1260 = arith.constant 23 : i32
    %shift_right_arithmetic3A_1261 = vector.broadcast %shift_right_arithmetic3A_1260 : i32 to vector<512x1xi32>
    %shift_right_arithmetic3A_1262 = arith.shrsi %bitcast_convert_type3A_1259, %shift_right_arithmetic3A_1261 : vector<512x1xi32>
    %sub3A_1263 = arith.constant 127 : i32
    %sub3A_1264 = vector.broadcast %sub3A_1263 : i32 to vector<512x1xi32>
    %sub3A_1265 = arith.subi %shift_right_arithmetic3A_1262, %sub3A_1264 : vector<512x1xi32>
    %mul3A_1266 = arith.constant 16 : i32
    %mul3A_1267 = vector.broadcast %mul3A_1266 : i32 to vector<512x1xi32>
    %mul3A_1268 = arith.muli %broadcast_in_dim3A_1245, %mul3A_1267 : vector<512x1xi32>
    %add3A_1269 = arith.addi %mul3A_1268, %sub3A_1265 : vector<512x1xi32>
    %lt3A_1270 = arith.constant 128 : i32
    %lt3A_1271 = vector.broadcast %lt3A_1270 : i32 to vector<512x1xi32>
    %lt3A_1272 = arith.cmpi slt, %broadcast_in_dim3A_1245, %lt3A_1271 : vector<512x1xi32>
    %select_n3A_1273 = arith.select %lt3A_1272, %add3A_1269, %select_n3A_97 : vector<512x1xi1>, vector<512x1xi32>
    %add3A_1274 = vector.broadcast %mul3A_64 : i32 to vector<512x1xi32>
    %add3A_1275 = arith.addi %select_n3A_1273, %add3A_1274 : vector<512x1xi32>
    %xor3A_1276 = vector.broadcast %and3A_1257 : vector<512x1xi32> to vector<512x128xi32>
    %xor3A_1277 = arith.xori %select_n3A_1236, %xor3A_1276 : vector<512x128xi32>
    %select_n3A_1278 = arith.select %eq3A_1247, %xor3A_1277, %select_n3A_1236 : vector<512x128xi1>, vector<512x128xi32>
    %ne3A_1279 = arith.constant 0 : i32
    %ne3A_1280 = vector.broadcast %ne3A_1279 : i32 to vector<512x128xi32>
    %ne3A_1281 = arith.cmpi ne, %select_n3A_1278, %ne3A_1280 : vector<512x128xi32>
    %jit3A_1282 = arith.constant 128 : i32
    %broadcast_in_dim3A_1283 = vector.broadcast %jit3A_1282 : i32 to vector<512x128xi32>
    %select_n3A_1284 = arith.select %ne3A_1281, %iota3A_62, %broadcast_in_dim3A_1283 : vector<512x128xi1>, vector<512x128xi32>
    %reduce_min3A_1285 = arith.constant dense<2147483647> : vector<512xi32>
    %reduce_min3A_1286 = vector.multi_reduction <minsi>, %select_n3A_1284, %reduce_min3A_1285 [1] : vector<512x128xi32> to vector<512xi32>
    %broadcast_in_dim3A_1287 = vector.shape_cast %reduce_min3A_1286 : vector<512xi32> to vector<512x1xi32>
    %eq3A_1288 = vector.broadcast %broadcast_in_dim3A_1287 : vector<512x1xi32> to vector<512x128xi32>
    %eq3A_1289 = arith.cmpi eq, %iota3A_62, %eq3A_1288 : vector<512x128xi32>
    %jit3A_1290 = arith.constant 0 : i32
    %broadcast_in_dim3A_1291 = vector.broadcast %jit3A_1290 : i32 to vector<512x128xi32>
    %select_n3A_1292 = arith.select %eq3A_1289, %select_n3A_1278, %broadcast_in_dim3A_1291 : vector<512x128xi1>, vector<512x128xi32>
    %reduce_sum3A_1293 = arith.constant dense<0> : vector<512xi32>
    %reduce_sum3A_1294 = vector.multi_reduction <add>, %select_n3A_1292, %reduce_sum3A_1293 [1] : vector<512x128xi32> to vector<512xi32>
    %broadcast_in_dim3A_1295 = vector.shape_cast %reduce_sum3A_1294 : vector<512xi32> to vector<512x1xi32>
    %neg3A_1296 = arith.constant 0 : i32
    %neg3A_1297 = vector.broadcast %neg3A_1296 : i32 to vector<512x1xi32>
    %neg3A_1298 = arith.subi %neg3A_1297, %broadcast_in_dim3A_1295 : vector<512x1xi32>
    %and3A_1299 = arith.andi %broadcast_in_dim3A_1295, %neg3A_1298 : vector<512x1xi32>
    %convert_element_type3A_1300 = arith.sitofp %and3A_1299 : vector<512x1xi32> to vector<512x1xf32>
    %bitcast_convert_type3A_1301 = tpu.bitcast %convert_element_type3A_1300 : vector<512x1xf32> -> vector<512x1xi32>
    %shift_right_arithmetic3A_1302 = arith.constant 23 : i32
    %shift_right_arithmetic3A_1303 = vector.broadcast %shift_right_arithmetic3A_1302 : i32 to vector<512x1xi32>
    %shift_right_arithmetic3A_1304 = arith.shrsi %bitcast_convert_type3A_1301, %shift_right_arithmetic3A_1303 : vector<512x1xi32>
    %sub3A_1305 = arith.constant 127 : i32
    %sub3A_1306 = vector.broadcast %sub3A_1305 : i32 to vector<512x1xi32>
    %sub3A_1307 = arith.subi %shift_right_arithmetic3A_1304, %sub3A_1306 : vector<512x1xi32>
    %mul3A_1308 = arith.constant 16 : i32
    %mul3A_1309 = vector.broadcast %mul3A_1308 : i32 to vector<512x1xi32>
    %mul3A_1310 = arith.muli %broadcast_in_dim3A_1287, %mul3A_1309 : vector<512x1xi32>
    %add3A_1311 = arith.addi %mul3A_1310, %sub3A_1307 : vector<512x1xi32>
    %lt3A_1312 = arith.constant 128 : i32
    %lt3A_1313 = vector.broadcast %lt3A_1312 : i32 to vector<512x1xi32>
    %lt3A_1314 = arith.cmpi slt, %broadcast_in_dim3A_1287, %lt3A_1313 : vector<512x1xi32>
    %select_n3A_1315 = arith.select %lt3A_1314, %add3A_1311, %select_n3A_97 : vector<512x1xi1>, vector<512x1xi32>
    %add3A_1316 = vector.broadcast %mul3A_64 : i32 to vector<512x1xi32>
    %add3A_1317 = arith.addi %select_n3A_1315, %add3A_1316 : vector<512x1xi32>
    %xor3A_1318 = vector.broadcast %and3A_1299 : vector<512x1xi32> to vector<512x128xi32>
    %xor3A_1319 = arith.xori %select_n3A_1278, %xor3A_1318 : vector<512x128xi32>
    %select_n3A_1320 = arith.select %eq3A_1289, %xor3A_1319, %select_n3A_1278 : vector<512x128xi1>, vector<512x128xi32>
    %ne3A_1321 = arith.constant 0 : i32
    %ne3A_1322 = vector.broadcast %ne3A_1321 : i32 to vector<512x128xi32>
    %ne3A_1323 = arith.cmpi ne, %select_n3A_1320, %ne3A_1322 : vector<512x128xi32>
    %jit3A_1324 = arith.constant 128 : i32
    %broadcast_in_dim3A_1325 = vector.broadcast %jit3A_1324 : i32 to vector<512x128xi32>
    %select_n3A_1326 = arith.select %ne3A_1323, %iota3A_62, %broadcast_in_dim3A_1325 : vector<512x128xi1>, vector<512x128xi32>
    %reduce_min3A_1327 = arith.constant dense<2147483647> : vector<512xi32>
    %reduce_min3A_1328 = vector.multi_reduction <minsi>, %select_n3A_1326, %reduce_min3A_1327 [1] : vector<512x128xi32> to vector<512xi32>
    %broadcast_in_dim3A_1329 = vector.shape_cast %reduce_min3A_1328 : vector<512xi32> to vector<512x1xi32>
    %eq3A_1330 = vector.broadcast %broadcast_in_dim3A_1329 : vector<512x1xi32> to vector<512x128xi32>
    %eq3A_1331 = arith.cmpi eq, %iota3A_62, %eq3A_1330 : vector<512x128xi32>
    %jit3A_1332 = arith.constant 0 : i32
    %broadcast_in_dim3A_1333 = vector.broadcast %jit3A_1332 : i32 to vector<512x128xi32>
    %select_n3A_1334 = arith.select %eq3A_1331, %select_n3A_1320, %broadcast_in_dim3A_1333 : vector<512x128xi1>, vector<512x128xi32>
    %reduce_sum3A_1335 = arith.constant dense<0> : vector<512xi32>
    %reduce_sum3A_1336 = vector.multi_reduction <add>, %select_n3A_1334, %reduce_sum3A_1335 [1] : vector<512x128xi32> to vector<512xi32>
    %broadcast_in_dim3A_1337 = vector.shape_cast %reduce_sum3A_1336 : vector<512xi32> to vector<512x1xi32>
    %neg3A_1338 = arith.constant 0 : i32
    %neg3A_1339 = vector.broadcast %neg3A_1338 : i32 to vector<512x1xi32>
    %neg3A_1340 = arith.subi %neg3A_1339, %broadcast_in_dim3A_1337 : vector<512x1xi32>
    %and3A_1341 = arith.andi %broadcast_in_dim3A_1337, %neg3A_1340 : vector<512x1xi32>
    %convert_element_type3A_1342 = arith.sitofp %and3A_1341 : vector<512x1xi32> to vector<512x1xf32>
    %bitcast_convert_type3A_1343 = tpu.bitcast %convert_element_type3A_1342 : vector<512x1xf32> -> vector<512x1xi32>
    %shift_right_arithmetic3A_1344 = arith.constant 23 : i32
    %shift_right_arithmetic3A_1345 = vector.broadcast %shift_right_arithmetic3A_1344 : i32 to vector<512x1xi32>
    %shift_right_arithmetic3A_1346 = arith.shrsi %bitcast_convert_type3A_1343, %shift_right_arithmetic3A_1345 : vector<512x1xi32>
    %sub3A_1347 = arith.constant 127 : i32
    %sub3A_1348 = vector.broadcast %sub3A_1347 : i32 to vector<512x1xi32>
    %sub3A_1349 = arith.subi %shift_right_arithmetic3A_1346, %sub3A_1348 : vector<512x1xi32>
    %mul3A_1350 = arith.constant 16 : i32
    %mul3A_1351 = vector.broadcast %mul3A_1350 : i32 to vector<512x1xi32>
    %mul3A_1352 = arith.muli %broadcast_in_dim3A_1329, %mul3A_1351 : vector<512x1xi32>
    %add3A_1353 = arith.addi %mul3A_1352, %sub3A_1349 : vector<512x1xi32>
    %lt3A_1354 = arith.constant 128 : i32
    %lt3A_1355 = vector.broadcast %lt3A_1354 : i32 to vector<512x1xi32>
    %lt3A_1356 = arith.cmpi slt, %broadcast_in_dim3A_1329, %lt3A_1355 : vector<512x1xi32>
    %select_n3A_1357 = arith.select %lt3A_1356, %add3A_1353, %select_n3A_97 : vector<512x1xi1>, vector<512x1xi32>
    %add3A_1358 = vector.broadcast %mul3A_64 : i32 to vector<512x1xi32>
    %add3A_1359 = arith.addi %select_n3A_1357, %add3A_1358 : vector<512x1xi32>
    %xor3A_1360 = vector.broadcast %and3A_1341 : vector<512x1xi32> to vector<512x128xi32>
    %xor3A_1361 = arith.xori %select_n3A_1320, %xor3A_1360 : vector<512x128xi32>
    %select_n3A_1362 = arith.select %eq3A_1331, %xor3A_1361, %select_n3A_1320 : vector<512x128xi1>, vector<512x128xi32>
    %ne3A_1363 = arith.constant 0 : i32
    %ne3A_1364 = vector.broadcast %ne3A_1363 : i32 to vector<512x128xi32>
    %ne3A_1365 = arith.cmpi ne, %select_n3A_1362, %ne3A_1364 : vector<512x128xi32>
    %jit3A_1366 = arith.constant 128 : i32
    %broadcast_in_dim3A_1367 = vector.broadcast %jit3A_1366 : i32 to vector<512x128xi32>
    %select_n3A_1368 = arith.select %ne3A_1365, %iota3A_62, %broadcast_in_dim3A_1367 : vector<512x128xi1>, vector<512x128xi32>
    %reduce_min3A_1369 = arith.constant dense<2147483647> : vector<512xi32>
    %reduce_min3A_1370 = vector.multi_reduction <minsi>, %select_n3A_1368, %reduce_min3A_1369 [1] : vector<512x128xi32> to vector<512xi32>
    %broadcast_in_dim3A_1371 = vector.shape_cast %reduce_min3A_1370 : vector<512xi32> to vector<512x1xi32>
    %eq3A_1372 = vector.broadcast %broadcast_in_dim3A_1371 : vector<512x1xi32> to vector<512x128xi32>
    %eq3A_1373 = arith.cmpi eq, %iota3A_62, %eq3A_1372 : vector<512x128xi32>
    %jit3A_1374 = arith.constant 0 : i32
    %broadcast_in_dim3A_1375 = vector.broadcast %jit3A_1374 : i32 to vector<512x128xi32>
    %select_n3A_1376 = arith.select %eq3A_1373, %select_n3A_1362, %broadcast_in_dim3A_1375 : vector<512x128xi1>, vector<512x128xi32>
    %reduce_sum3A_1377 = arith.constant dense<0> : vector<512xi32>
    %reduce_sum3A_1378 = vector.multi_reduction <add>, %select_n3A_1376, %reduce_sum3A_1377 [1] : vector<512x128xi32> to vector<512xi32>
    %broadcast_in_dim3A_1379 = vector.shape_cast %reduce_sum3A_1378 : vector<512xi32> to vector<512x1xi32>
    %neg3A_1380 = arith.constant 0 : i32
    %neg3A_1381 = vector.broadcast %neg3A_1380 : i32 to vector<512x1xi32>
    %neg3A_1382 = arith.subi %neg3A_1381, %broadcast_in_dim3A_1379 : vector<512x1xi32>
    %and3A_1383 = arith.andi %broadcast_in_dim3A_1379, %neg3A_1382 : vector<512x1xi32>
    %convert_element_type3A_1384 = arith.sitofp %and3A_1383 : vector<512x1xi32> to vector<512x1xf32>
    %bitcast_convert_type3A_1385 = tpu.bitcast %convert_element_type3A_1384 : vector<512x1xf32> -> vector<512x1xi32>
    %shift_right_arithmetic3A_1386 = arith.constant 23 : i32
    %shift_right_arithmetic3A_1387 = vector.broadcast %shift_right_arithmetic3A_1386 : i32 to vector<512x1xi32>
    %shift_right_arithmetic3A_1388 = arith.shrsi %bitcast_convert_type3A_1385, %shift_right_arithmetic3A_1387 : vector<512x1xi32>
    %sub3A_1389 = arith.constant 127 : i32
    %sub3A_1390 = vector.broadcast %sub3A_1389 : i32 to vector<512x1xi32>
    %sub3A_1391 = arith.subi %shift_right_arithmetic3A_1388, %sub3A_1390 : vector<512x1xi32>
    %mul3A_1392 = arith.constant 16 : i32
    %mul3A_1393 = vector.broadcast %mul3A_1392 : i32 to vector<512x1xi32>
    %mul3A_1394 = arith.muli %broadcast_in_dim3A_1371, %mul3A_1393 : vector<512x1xi32>
    %add3A_1395 = arith.addi %mul3A_1394, %sub3A_1391 : vector<512x1xi32>
    %lt3A_1396 = arith.constant 128 : i32
    %lt3A_1397 = vector.broadcast %lt3A_1396 : i32 to vector<512x1xi32>
    %lt3A_1398 = arith.cmpi slt, %broadcast_in_dim3A_1371, %lt3A_1397 : vector<512x1xi32>
    %select_n3A_1399 = arith.select %lt3A_1398, %add3A_1395, %select_n3A_97 : vector<512x1xi1>, vector<512x1xi32>
    %add3A_1400 = vector.broadcast %mul3A_64 : i32 to vector<512x1xi32>
    %add3A_1401 = arith.addi %select_n3A_1399, %add3A_1400 : vector<512x1xi32>
    %concatenate3A = tpu.concatenate %add3A_100, %add3A_141, %add3A_183, %add3A_225, %add3A_267, %add3A_309, %add3A_351, %add3A_393, %add3A_435, %add3A_477, %add3A_519, %add3A_561, %add3A_603, %add3A_645, %add3A_687, %add3A_729, %add3A_771, %add3A_813, %add3A_855, %add3A_897, %add3A_939, %add3A_981, %add3A_1023, %add3A_1065, %add3A_1107, %add3A_1149, %add3A_1191, %add3A_1233, %add3A_1275, %add3A_1317, %add3A_1359, %add3A_1401 in 1 : vector<512x1xi32>, vector<512x1xi32>, vector<512x1xi32>, vector<512x1xi32>, vector<512x1xi32>, vector<512x1xi32>, vector<512x1xi32>, vector<512x1xi32>, vector<512x1xi32>, vector<512x1xi32>, vector<512x1xi32>, vector<512x1xi32>, vector<512x1xi32>, vector<512x1xi32>, vector<512x1xi32>, vector<512x1xi32>, vector<512x1xi32>, vector<512x1xi32>, vector<512x1xi32>, vector<512x1xi32>, vector<512x1xi32>, vector<512x1xi32>, vector<512x1xi32>, vector<512x1xi32>, vector<512x1xi32>, vector<512x1xi32>, vector<512x1xi32>, vector<512x1xi32>, vector<512x1xi32>, vector<512x1xi32>, vector<512x1xi32>, vector<512x1xi32> -> vector<512x32xi32>
    %swap3A = arith.constant 0 : index
    %swap3A_1402 = arith.constant 0 : index
    %swap3A_1403 = arith.constant 0 : index
    %swap3A_1404 = vector.load %arg3[%swap3A, %swap3A_1402, %swap3A_1403] : memref<1x512x32xi32, #tpu.memory_space<vmem>>, vector<1x512x32xi32>
    %swap3A_1405 = vector.shape_cast %swap3A_1404 : vector<1x512x32xi32> to vector<512x32xi32>
    %swap3A_1406 = vector.shape_cast %concatenate3A : vector<512x32xi32> to vector<1x512x32xi32>
    tpu.vector_store %arg3[%swap3A, %swap3A_1402, %swap3A_1403], %swap3A_1406 {strides = array<i32>} : memref<1x512x32xi32, #tpu.memory_space<vmem>>, vector<1x512x32xi32>,
    return
  }
  func.func @transform_0(%arg0: i32) -> (i32, i32, i32) {
    %c0_i32 = arith.constant 0 : i32
    %c0_i32_0 = arith.constant 0 : i32
    %c0_i32_1 = arith.constant 0 : i32
    return %arg0, %c0_i32, %c0_i32_0 : i32, i32, i32
  }
  func.func @transform_1(%arg0: i32) -> (i32, i32, i32) {
    %c0_i32 = arith.constant 0 : i32
    %c0_i32_0 = arith.constant 0 : i32
    %c0_i32_1 = arith.constant 0 : i32
    return %arg0, %c0_i32, %c0_i32_0 : i32, i32, i32
  }
  func.func @transform_2(%arg0: i32) -> (i32, i32, i32) {
    %c0_i32 = arith.constant 0 : i32
    %c0_i32_0 = arith.constant 0 : i32
    %c0_i32_1 = arith.constant 0 : i32
    return %arg0, %c0_i32, %c0_i32_0 : i32, i32, i32
  }
}

module attributes {stable_mosaic.version = 14 : i64} {
  func.func @_embed_body(%arg0: memref<16384x3xf32, #tpu.memory_space<vmem>>, %arg1: memref<16384x64xf32, #tpu.memory_space<vmem>>, %arg2: memref<67x128xf32, #tpu.memory_space<vmem>>, %arg3: memref<128xf32, #tpu.memory_space<vmem>>, %arg4: memref<4096x3xf32, #tpu.memory_space<vmem>>, %arg5: memref<16384x128xf32, #tpu.memory_space<vmem>>, %arg6: memref<4096x64xf32, #tpu.memory_space<vmem>>) attributes {dimension_semantics = [], scalar_prefetch = 0 : i64, scratch_operands = 0 : i64, tpu.core_type = #tpu.core_type<tc>} {
    %get3A = arith.constant 0 : index
    %get3A_0 = arith.constant 0 : index
    %get3A_1 = vector.load %arg2[%get3A, %get3A_0] : memref<67x128xf32, #tpu.memory_space<vmem>>, vector<67x128xf32>
    %slice3A = vector.extract_strided_slice %get3A_1 {offsets = [0, 0], sizes = [3, 128], strides = [1, 1]} : vector<67x128xf32> to vector<3x128xf32>
    %slice3A_2 = vector.extract_strided_slice %get3A_1 {offsets = [3, 0], sizes = [64, 128], strides = [1, 1]} : vector<67x128xf32> to vector<64x128xf32>
    %get3A_3 = arith.constant 0 : index
    %get3A_4 = arith.constant 0 : index
    %get3A_5 = vector.load %arg0[%get3A_3, %get3A_4] : memref<16384x3xf32, #tpu.memory_space<vmem>>, vector<16384x3xf32>
    %dot_general3A = arith.constant dense<0.000000e+00> : vector<16384x128xf32>
    %dot_general3A_6 = tpu.matmul %get3A_5, %slice3A, %dot_general3A {dimension_numbers = #tpu.dot_dimension_numbers<[1], [0], [0], [1], [0, 0, 1, 1], [], []>, transpose_lhs_hint = false} : vector<16384x3xf32>, vector<3x128xf32>, vector<16384x128xf32> -> vector<16384x128xf32>
    %get3A_7 = arith.constant 0 : index
    %get3A_8 = arith.constant 0 : index
    %get3A_9 = vector.load %arg1[%get3A_7, %get3A_8] : memref<16384x64xf32, #tpu.memory_space<vmem>>, vector<16384x64xf32>
    %dot_general3A_10 = arith.constant dense<0.000000e+00> : vector<16384x128xf32>
    %dot_general3A_11 = tpu.matmul %get3A_9, %slice3A_2, %dot_general3A_10 {dimension_numbers = #tpu.dot_dimension_numbers<[1], [0], [0], [1], [0, 0, 1, 1], [], []>, transpose_lhs_hint = false} : vector<16384x64xf32>, vector<64x128xf32>, vector<16384x128xf32> -> vector<16384x128xf32>
    %add3A = arith.addf %dot_general3A_6, %dot_general3A_11 : vector<16384x128xf32>
    %get3A_12 = arith.constant 0 : index
    %get3A_13 = vector.load %arg3[%get3A_12] : memref<128xf32, #tpu.memory_space<vmem>>, vector<128xf32>
    %broadcast_in_dim3A = vector.shape_cast %get3A_13 : vector<128xf32> to vector<1x128xf32>
    %add3A_14 = vector.broadcast %broadcast_in_dim3A : vector<1x128xf32> to vector<16384x128xf32>
    %add3A_15 = arith.addf %add3A, %add3A_14 : vector<16384x128xf32>
    %swap3A = arith.constant 0 : index
    %swap3A_16 = arith.constant 0 : index
    %swap3A_17 = vector.load %arg5[%swap3A, %swap3A_16] : memref<16384x128xf32, #tpu.memory_space<vmem>>, vector<16384x128xf32>
    tpu.vector_store %arg5[%swap3A, %swap3A_16], %add3A_15 {strides = array<i32>} : memref<16384x128xf32, #tpu.memory_space<vmem>>, vector<16384x128xf32>,
    %get3A_18 = arith.constant 0 : index
    %get3A_19 = arith.constant 0 : index
    %get3A_20 = vector.load %arg4[%get3A_18, %get3A_19] : memref<4096x3xf32, #tpu.memory_space<vmem>>, vector<4096x3xf32>
    %slice3A_21 = vector.extract_strided_slice %slice3A {offsets = [0, 0], sizes = [3, 64], strides = [1, 1]} : vector<3x128xf32> to vector<3x64xf32>
    %dot_general3A_22 = arith.constant dense<0.000000e+00> : vector<4096x64xf32>
    %dot_general3A_23 = tpu.matmul %get3A_20, %slice3A_21, %dot_general3A_22 {dimension_numbers = #tpu.dot_dimension_numbers<[1], [0], [0], [1], [0, 0, 1, 1], [], []>, transpose_lhs_hint = false} : vector<4096x3xf32>, vector<3x64xf32>, vector<4096x64xf32> -> vector<4096x64xf32>
    %swap3A_24 = arith.constant 0 : index
    %swap3A_25 = arith.constant 0 : index
    %swap3A_26 = vector.load %arg6[%swap3A_24, %swap3A_25] : memref<4096x64xf32, #tpu.memory_space<vmem>>, vector<4096x64xf32>
    tpu.vector_store %arg6[%swap3A_24, %swap3A_25], %dot_general3A_23 {strides = array<i32>} : memref<4096x64xf32, #tpu.memory_space<vmem>>, vector<4096x64xf32>,
    return
  }
}

module attributes {stable_mosaic.version = 14 : i64} {
  func.func @_mlp_body(%arg0: i32, %arg1: memref<512x32x128xf32, #tpu.memory_space<vmem>>, %arg2: memref<512x64xf32, #tpu.memory_space<vmem>>, %arg3: memref<64x128xf32, #tpu.memory_space<vmem>>, %arg4: memref<128xf32, #tpu.memory_space<vmem>>, %arg5: memref<512x128xf32, #tpu.memory_space<vmem>>) attributes {dimension_semantics = [#tpu.dimension_semantics<arbitrary>], iteration_bounds = array<i64: 8>, scalar_prefetch = 0 : i64, scratch_operands = 0 : i64, tpu.core_type = #tpu.core_type<tc>, window_params = [{transform_indices = @transform_0, window_bounds = array<i64: 512, 32, 128>}, {transform_indices = @transform_1, window_bounds = array<i64: 512, 64>}, {pipeline_mode = #tpu.pipeline_mode<synchronous>, transform_indices = @transform_2, window_bounds = array<i64: 64, 128>}, {pipeline_mode = #tpu.pipeline_mode<synchronous>, transform_indices = @transform_3, window_bounds = array<i64: 128>}, {transform_indices = @transform_4, window_bounds = array<i64: 512, 128>}]} {
    %get3A = arith.constant 0 : index
    %get3A_0 = arith.constant 0 : index
    %get3A_1 = arith.constant 0 : index
    %get3A_2 = vector.load %arg1[%get3A, %get3A_0, %get3A_1] : memref<512x32x128xf32, #tpu.memory_space<vmem>>, vector<512x32x64xf32>
    %get3A_3 = arith.constant 0 : index
    %get3A_4 = arith.constant 0 : index
    %get3A_5 = vector.load %arg2[%get3A_3, %get3A_4] : memref<512x64xf32, #tpu.memory_space<vmem>>, vector<512x64xf32>
    %broadcast_in_dim3A = vector.shape_cast %get3A_5 : vector<512x64xf32> to vector<512x1x64xf32>
    %sub3A = vector.broadcast %broadcast_in_dim3A : vector<512x1x64xf32> to vector<512x32x64xf32>
    %sub3A_6 = arith.subf %get3A_2, %sub3A : vector<512x32x64xf32>
    %max3A = arith.constant 0.000000e+00 : f32
    %max3A_7 = vector.broadcast %max3A : f32 to vector<512x32x64xf32>
    %max3A_8 = arith.maximumf %sub3A_6, %max3A_7 : vector<512x32x64xf32>
    %reshape3A = vector.shape_cast %max3A_8 : vector<512x32x64xf32> to vector<16384x64xf32>
    %get3A_9 = arith.constant 0 : index
    %get3A_10 = arith.constant 0 : index
    %get3A_11 = vector.load %arg3[%get3A_9, %get3A_10] : memref<64x128xf32, #tpu.memory_space<vmem>>, vector<64x128xf32>
    %dot_general3A = arith.constant dense<0.000000e+00> : vector<16384x128xf32>
    %dot_general3A_12 = tpu.matmul %reshape3A, %get3A_11, %dot_general3A {dimension_numbers = #tpu.dot_dimension_numbers<[1], [0], [0], [1], [0, 0, 1, 1], [], []>, transpose_lhs_hint = false} : vector<16384x64xf32>, vector<64x128xf32>, vector<16384x128xf32> -> vector<16384x128xf32>
    %get3A_13 = arith.constant 0 : index
    %get3A_14 = vector.load %arg4[%get3A_13] : memref<128xf32, #tpu.memory_space<vmem>>, vector<128xf32>
    %broadcast_in_dim3A_15 = vector.shape_cast %get3A_14 : vector<128xf32> to vector<1x128xf32>
    %add3A = vector.broadcast %broadcast_in_dim3A_15 : vector<1x128xf32> to vector<16384x128xf32>
    %add3A_16 = arith.addf %dot_general3A_12, %add3A : vector<16384x128xf32>
    %max3A_17 = arith.constant 0.000000e+00 : f32
    %max3A_18 = vector.broadcast %max3A_17 : f32 to vector<16384x128xf32>
    %max3A_19 = arith.maximumf %add3A_16, %max3A_18 : vector<16384x128xf32>
    %reshape3A_20 = vector.shape_cast %max3A_19 : vector<16384x128xf32> to vector<512x32x128xf32>
    %reduce_max3A = arith.constant dense<0xFF800000> : vector<512x128xf32>
    %reduce_max3A_21 = vector.multi_reduction <maximumf>, %reshape3A_20, %reduce_max3A [1] : vector<512x32x128xf32> to vector<512x128xf32>
    %swap3A = arith.constant 0 : index
    %swap3A_22 = arith.constant 0 : index
    %swap3A_23 = vector.load %arg5[%swap3A, %swap3A_22] : memref<512x128xf32, #tpu.memory_space<vmem>>, vector<512x128xf32>
    tpu.vector_store %arg5[%swap3A, %swap3A_22], %reduce_max3A_21 {strides = array<i32>} : memref<512x128xf32, #tpu.memory_space<vmem>>, vector<512x128xf32>,
    return
  }
  func.func @transform_0(%arg0: i32) -> (i32, i32, i32) {
    %c0_i32 = arith.constant 0 : i32
    %c0_i32_0 = arith.constant 0 : i32
    %c0_i32_1 = arith.constant 0 : i32
    return %arg0, %c0_i32, %c0_i32_0 : i32, i32, i32
  }
  func.func @transform_1(%arg0: i32) -> (i32, i32) {
    %c0_i32 = arith.constant 0 : i32
    %c0_i32_0 = arith.constant 0 : i32
    return %arg0, %c0_i32 : i32, i32
  }
  func.func @transform_2(%arg0: i32) -> (i32, i32) {
    %c0_i32 = arith.constant 0 : i32
    %c0_i32_0 = arith.constant 0 : i32
    %c0_i32_1 = arith.constant 0 : i32
    return %c0_i32, %c0_i32_0 : i32, i32
  }
  func.func @transform_3(%arg0: i32) -> i32 {
    %c0_i32 = arith.constant 0 : i32
    %c0_i32_0 = arith.constant 0 : i32
    return %c0_i32 : i32
  }
  func.func @transform_4(%arg0: i32) -> (i32, i32) {
    %c0_i32 = arith.constant 0 : i32
    %c0_i32_0 = arith.constant 0 : i32
    return %arg0, %c0_i32 : i32, i32
  }
}

</mosaic_0001>

<sc_bundles>
// kernel: kernel.7.cloned.1.call-start
scs
__scs_entry_jumppad:
0x0: {  	(pc) =	sbr.rel $0x88, $3  }
0x1: {  	(tag) =	ssettag $0x0;
	lr =	simm.s32 $0x1  }
0x2: {  	[smem:$0x3F9B] =	sst lr;
	_ =	strace $0xD0000000  }
0x3: {  	_ = 	snop  }
0x4: {  	_ = 	snop  }
0x5: {  	_ = 	snop  }
0x6: {  	_ = 	snop  }
0x7: {  	_ = 	snop  }
__scs_overlays_trampoline_lowered:
0x8: {  	[smem:$0x3FAA] =	sst s0  }
0x9: {  	[smem:$0x3FAB] =	sst s1  }
0xa: {  	[smem:$0x3FAC] =	sst s2  }
0xb: {  	[smem:$0x3FAD] =	sst s3  }
0xc: {  	[smem:$0x3FAE] =	sst s4  }
0xd: {  	[smem:$0x3FAF] =	sst s5  }
0xe: {  	[smem:$0x3FB0] =	sst s6  }
0xf: {  	[smem:$0x3FB1] =	sst s7  }
0x10: {  	[smem:$0x3FB2] =	sst s8  }
0x11: {  	[smem:$0x3FB3] =	sst s9;
	s0 =	simm.s32 @!p0 $0x0  }
0x12: {  	s1 =	sld [smem:$0x3F99];
	s0 =	simm.s32 @p0 $0x1  }
0x13: {  	[smem:$0x3FB4] =	sst s0;
	s0 =	simm.s32 @!p1 $0x0  }
0x14: {  	s2 =	sld [smem:$0x3F98];
	s0 =	simm.s32 @p1 $0x1  }
0x15: {  	[smem:$0x3FB5] =	sst s0;
	s0 =	simm.s32 @!p2 $0x0  }
0x16: {  	s3 =	sld [smem:$0x3FDB];
	s0 =	simm.s32 @p2 $0x1  }
0x17: {  	s4 =	simm.s32 $0x1BF5;
	[smem:$0x3FB7] =	sst s0  }
0x18: {  	s0 =	sld [smem:$0x3F9A];
	_ =	swait.ge [sflag:s4], $0x0  }
0x19: {  	s7 =	sld [smem:$0x3F9B]  }
0x1a: {  	s8 =	sadd.s32 $0xFFFFE003, lr  }
0x1b: {  	s9 =	sadd.s32 $0xFFFFFEF7, lr;
	s5 =	simm.s32 $0xFFFFFFFF;
	p2 =	slt.u32 s8, $0xFFFFF086  }
0x1c: {  	p1 =	slt.u32 s9, $0xF7A;
	s5 =	simm.s32 @!p2 $0x0  }
0x1d: {  	s5 =	simm.s32 @p1 $0x1;
	p0 =	seq.s32 s7, s2  }
0x1e: {  	s7 =	smul.u32 @!p0 $0xF7A, s2;
	p2 =	seq.s32 @!p0 s5, $0x0  }
0x1f: {  	s9 =	smul.u32 $0xF7A, s1;
	s8 =	simm.s32 @!p0 $0x1BF5;
	p2 =	por !p2, p0  }
0x20: {  	[sflag:s8] =	ssyncset.s32 @!p0 $0xFFFFF086;
	s6 =	sadd.s32 @!p0 s3, s7;
	s7 =	simm.s32 @!p0 $0x108  }
0x21: {  	s3 =	sadd.s32 s3, s9;
	s6 =	sadd.s32 @!p0 $0x88, s6;
	s7 =	simm.s32 @p2 $0x1082  }
0x22: {  	[simem:s7], [sflag:s8] =	dma.local @!p0 [hbm:s6], $0xF7A  }
0x23: {  	s9 =	sor.u32 $0xD0000000, s2;
	s6 =	simm.s32 $0x108;
	_ =	swait.ge @!p0 [sflag:s8], $0x0  }
0x24: {  	s3 =	sadd.s32 $0x88, s3;
	s6 =	simm.s32 @!p1 $0x1082;
	[sflag:s4] =	ssyncset.s32 $0xFFFFF086  }
0x25: {  	[simem:s6], [sflag:s4] =	dma.local [hbm:s3], $0xF7A  }
0x26: {  	[smem:$0x3F9B] =	sst s1;
	(tag) =	ssettag s2;
	_ =	strace s9  }
0x27: {  	s1 =	sld [smem:$0x3FAB]  }
0x28: {  	s2 =	sld [smem:$0x3FAC]  }
0x29: {  	s4 =	sld [smem:$0x3FAE]  }
0x2a: {  	p0 =	seq.s32 s5, $0x0;
	s5 =	sld [smem:$0x3FAF]  }
0x2b: {  	s6 =	sld [smem:$0x3FB0]  }
0x2c: {  	s7 =	sld [smem:$0x3FB1]  }
0x2d: {  	s3 =	simm.s32 $0x108;
	s8 =	sld [smem:$0x3FB2]  }
0x2e: {  	s3 =	simm.s32 @!p0 $0x1082;
	s9 =	sld [smem:$0x3FB3]  }
0x2f: {  	lr =	sadd.s32 s0, s3;
	s0 =	sld [smem:$0x3FAA]  }
0x30: {  	s3 =	sld [smem:$0x3FAD]  }
0x31: {  	[smem:$0x3FB6] =	sst s10  }
0x32: {  	s10 =	sld [smem:$0x3FB4];
	_ =	sdelay $0x3  }
0x33: {  	p0 =	seq.s32 s10, $0x1;
	s10 =	sld [smem:$0x3FB6];
	_ =	sdelay $0x3  }
0x34: {  	[smem:$0x3FB6] =	sst s10  }
0x35: {  	s10 =	sld [smem:$0x3FB5];
	_ =	sdelay $0x3  }
0x36: {  	p1 =	seq.s32 s10, $0x1;
	s10 =	sld [smem:$0x3FB6];
	_ =	sdelay $0x3  }
0x37: {  	[smem:$0x3FB6] =	sst s10  }
0x38: {  	s10 =	sld [smem:$0x3FB7]  }
0x39: {  	_ = 	snop;
	(pc) =	sbr.ind lr, $3  }
0x3a: {  	_ = 	snop  }
0x3b: {  	_ = 	snop  }
0x3c: {  	p2 =	seq.s32 s10, $0x1;
	s10 =	sld [smem:$0x3FB6]  }
0x3d: {  	_ =	shalt  }
0x3e: {  	_ =	shalt  }
0x3f: {  	_ =	shalt  }
0x40: {  	_ =	shalt  }
0x41: {  	_ =	shalt  }
0x42: {  	_ =	shalt  }
0x43: {  	_ =	shalt  }
0x44: {  	_ =	shalt  }
0x45: {  	_ =	shalt  }
0x46: {  	_ =	shalt  }
0x47: {  	_ =	shalt  }
0x48: {  	_ =	shalt  }
0x49: {  	_ =	shalt  }
0x4a: {  	_ =	shalt  }
0x4b: {  	_ =	shalt  }
0x4c: {  	_ =	shalt  }
0x4d: {  	_ =	shalt  }
0x4e: {  	_ =	shalt  }
0x4f: {  	_ =	shalt  }
0x50: {  	_ =	shalt  }
0x51: {  	_ =	shalt  }
0x52: {  	_ =	shalt  }
0x53: {  	_ =	shalt  }
0x54: {  	_ =	shalt  }
0x55: {  	_ =	shalt  }
0x56: {  	_ =	shalt  }
0x57: {  	_ =	shalt  }
0x58: {  	_ =	shalt  }
0x59: {  	_ =	shalt  }
0x5a: {  	_ =	shalt  }
0x5b: {  	_ =	shalt  }
0x5c: {  	_ =	shalt  }
0x5d: {  	_ =	shalt  }
0x5e: {  	_ =	shalt  }
0x5f: {  	_ =	shalt  }
0x60: {  	_ =	shalt  }
0x61: {  	_ =	shalt  }
0x62: {  	_ =	shalt  }
0x63: {  	_ =	shalt  }
0x64: {  	_ =	shalt  }
0x65: {  	_ =	shalt  }
0x66: {  	_ =	shalt  }
0x67: {  	_ =	shalt  }
0x68: {  	_ =	shalt  }
0x69: {  	_ =	shalt  }
0x6a: {  	_ =	shalt  }
0x6b: {  	_ =	shalt  }
0x6c: {  	_ =	shalt  }
0x6d: {  	_ =	shalt  }
0x6e: {  	_ =	shalt  }
0x6f: {  	_ =	shalt  }
0x70: {  	_ =	shalt  }
0x71: {  	_ =	shalt  }
0x72: {  	_ =	shalt  }
0x73: {  	_ =	shalt  }
0x74: {  	_ =	shalt  }
0x75: {  	_ =	shalt  }
0x76: {  	_ =	shalt  }
0x77: {  	_ =	shalt  }
0x78: {  	_ =	shalt  }
0x79: {  	_ =	shalt  }
0x7a: {  	_ =	shalt  }
0x7b: {  	_ =	shalt  }
0x7c: {  	_ =	shalt  }
0x7d: {  	_ =	shalt  }
0x7e: {  	_ =	shalt  }
0x7f: {  	_ =	shalt  }
0x80: {  	_ =	shalt  }
0x81: {  	_ =	shalt  }
0x82: {  	_ =	shalt  }
0x83: {  	_ =	shalt  }
0x84: {  	_ =	shalt  }
0x85: {  	_ =	shalt  }
0x86: {  	_ =	shalt  }
0x87: {  	_ =	shalt  }
.Lfunc_end0:
.L_simem_size_0:
called_computation_lowered:
.L_overlay_start_0:
0x88: {  	s2 =	sld [smem:$0x3FD9]  }
0x89: {  	s3 =	sld [smem:$0x3FFE];
	_ =	sdelay $0x1  }
0x8a: {  	s1 =	srdreg.scid  }
0x8b: {  	s0 =	sand.u32 $0x1, s1  }
0x8c: {  	s14 =	sshll.u32 s0, $0xA;
	s2 =	sadd.s32 s3, s2  }
0x8d: {  	s2 =	sadd.s32 s2, s14  }
0x8e: {  	[smem:$0x3FC2] =	sst s2  }
0x8f: {  	_ = 	snop  }
0x90: {  	s2 =	sld [smem:$0x3FD0];
	_ =	sdelay $0x2  }
0x91: {  	s15 =	simm.s32 $0xA;
	s4 =	simm.s32 $0x10  }
0x92: {  	[smem:s4], [sflag:s15] =	dma.local [hbm:s2], $0x1  }
0x93: {  	_ =	swait.eq [sflag:s15], $0x1  }
0x94: {  	[sflag:s15] =	ssyncset.done $0x0  }
0x95: {  	[sflag:s15] =	ssyncadd.s32 $0xFFFFFFFF  }
0x96: {  	s16 =	sld [smem:$0x11];
	(tm) =	ssettm $0x1  }
0x97: {  	s17 =	sld [smem:$0x3FFB];
	_ =	sdelay $0x3  }
0x98: {  	_ =	strace s17  }
0x99: {  	s3 =	sld [smem:$0x3FFC];
	_ =	sdelay $0x3  }
0x9a: {  	_ =	strace s3  }
0x9b: {  	s3 =	sld [smem:$0x3FFD];
	_ =	sdelay $0x3  }
0x9c: {  	_ =	strace s3  }
0x9d: {  	_ =	strace $0x8FFFFFFF  }
0x9e: {  	s18 =	sld [smem:$0x3FDB];
	_ =	sdelay $0x1  }
0x9f: {  	s19 =	simm.s32 $_scs_section_size  }
0xa0: {  	s5 =	simm.s32 $_size__tile_overlayer_lowered;
	s6 =	simm.s32 $_tile_overlayer_lowered  }
0xa1: {  	s22 =	simm.s32 $0x1BFF;
	s21 =	sshll.u32 s6, $0x1;
	s3 =	sadd.s32 s19, s18  }
0xa2: {  	s7 =	simm.s32 $0x0;
	s20 =	sshll.u32 s5, $0x1;
	s5 =	sadd.s32 s21, s3  }
0xa3: {  	[timem:s7], [sflag:s22] =	dma.local [hbm:s5], s20  }
0xa4: {  	_ =	swait.ge [sflag:s22], s20  }
0xa5: {  	s4 =	ssub.s32 $0x0, s20;
	[sflag:s22] =	ssyncset.done $0x0  }
0xa6: {  	[sflag:s22] =	ssyncadd.s32 s4;
	_ =	sdelay $0x1  }
0xa7: {  	s23 =	simm.s32 $0x1B8B  }
0xa8: {  	_ =	swait.ge [sflag:s23], $0x1  }
0xa9: {  	[sflag:s23] =	ssyncset.done $0x0  }
0xaa: {  	s25 =	simm.s32 $0x1B8E;
	s24 =	sld [smem:$0x3FFE];
	[sflag:s23] =	ssyncadd.s32 $0xFFFFFFFF  }
0xab: {  	s26 =	simm.s32 $execute0_lowered;
	[smem:$0x3FD2] =	sst s25  }
0xac: {  	s5 =	sshll.u32 s26, $0x1;
	_ =	strace $0x80000046;
	[dreg:$0x1] =	wrdreg $0xFFFFFFFF  }
0xad: {  	s28 =	simm.s32 $_size_execute0_lowered;
	s3 =	sadd.s32 s3, s5;
	[dreg:$0x0] =	wrdreg $0x0  }
0xae: {  	s5 =	sshll.u32 s28, $0x1;
	[dreg:$0x2] =	wrdreg s3  }
0xaf: {  	[dreg:$0x3] =	wrdreg s5  }
0xb0: {  	[dreg:$0x4] =	wrdreg $0xC0  }
0xb1: {  	_ =	task [dreg:s7], $0x5FFFF  }
0xb2: {  	[dreg:$0x1] =	wrdreg $0xFFFFFFFF  }
0xb3: {  	[dreg:$0x0] =	wrdreg $0x60  }
0xb4: {  	[dreg:$0x2] =	wrdreg s16  }
0xb5: {  	[dreg:$0x3] =	wrdreg s24  }
0xb6: {  	[dreg:$0x4] =	wrdreg $0x9  }
0xb7: {  	_ =	task.clear_ibuf [dreg:s7], $0x5FFFF;
	_ =	strace $0x90000046  }
0xb8: {  	s29 =	simm.s32 $0x9;
	_ =	strace $0x80000048  }
0xb9: {  	_ =	swait.ge [sflag:s29], $0x1  }
0xba: {  	[sflag:s29] =	ssyncadd.s32 $0xFFFFFFFF  }
0xbb: {  	_ =	strace $0x90000048  }
0xbc: {  	_ =	sfence  }
0xbd: {  	s30 =	sld [smem:$0x0];
	_ =	sdelay $0x2  }
0xbe: {  	s31 =	sshll.u32 s1, $0xD;
	s1 =	sshrl.u32 s1, $0x2  }
0xbf: {  	s3 =	sand.u32 $0x4000, s31;
	s1 =	sadd.s32 s1, s30  }
0xc0: {  	s0 =	sor.u32 s3, s0;
	s1 =	sshll.u32 s1, $0x11  }
0xc1: {  	s0 =	sor.u32 s1, s0  }
0xc2: {  	s0 =	sadd.s32 $0x8F2B, s0  }
0xc3: {  	[sflag:s0] =	ssyncadd.remote.s32 $0x1  }
0xc4: {  	_ =	sfence.sel $0xFFFF  }
0xc5: {  	[dreg:$0x0] =	wrdreg $0xFFFFFFFF;
	(pc) =	sbr.abs _section_cstart, $3  }
0xc6: {  	[dreg:$0x1] =	wrdreg $0xFFFFFFFF  }
0xc7: {  	_ =	task.clear_ibuf [dreg:s7], $0x2FFFF;
	_ =	strace $0x9FFFFFFF  }
0xc8: {  	(tm) =	ssettm $0x7FFFFFFF  }
0xc9: {  	_ =	shalt  }
tec
execute0_lowered:
.L_overlay_start_1:
0x0: {  	(tag) =	ssettag $0x1  }
0x1: {  	s11 =	rddreg [dreg:$0x0]  }
0x2: {  	s4 =	rddreg [dreg:$0x1]  }
0x3: {  	s0 =	rddreg [dreg:$0x2]  }
0x4: {  	s2 =	simm.s32 $0x0;
	s3 =	srdreg.scid;
	s1 =	stileid.u32  }
0x5: {  	s14 =	simm.s32 $0x100;
	s15 =	simm.s32 $0x4100;
	s16 =	simm.s32 $0x1  }
0x6: {  	s17 =	simm.s32 $0x2;
	s18 =	simm.s32 $0x0;
	[smem:$0x7FF] =	sst s2  }
0x7: {  	s7 =	sand.u32 $0x1, s3;
	s3 =	sadd.s32 $0x1200, s4;
	s6 =	sshll.u32 s1, $0xC  }
0x8: {  	s9 =	sadd.s32 $0x41200, s4;
	s28 =	sshll.u32 s1, $0x10;
	s5 =	sshll.u32 s7, $0x10  }
0x9: {  	_ =	strace $0x80000047;
	s25 =	ssub.s32 $0x2, s7;
	s10 =	sor.u32 s6, s5  }
0xa: {  	s13 =	sshll.u32 s7, $0x14;
	s26 =	sshrl.u32 s25, $0x1;
	s6 =	sshrl.u32 s10, $0x3  }
0xb: {  	s8 =	sshll.u32 s10, $0x4;
	s12 =	ssub.s32 s25, s26;
	s29 =	sor.u32 $0x180, s10  }
0xc: {  	s10 =	sor.u32 $0x100, s10;
	s4 =	sadd.s32 s11, s6;
	s8 =	sadd.s32 s8, s9  }
0xd: {  	s9 =	sadd.s32 s13, s9;
	s30 =	sshrl.u32 s29, $0x3;
	s31 =	sshrl.u32 s10, $0x3  }
0xe: {  	s13 =	simm.s32 $0x80;
	s5 =	sadd.s32 $0x10, s4;
	s6 =	sadd.s32 $0xF000, s8  }
0xf: {  	s7 =	sadd.s32 $0xF800, s8;
	s8 =	smax.u32 s12, $0x1;
	s9 =	sadd.s32 s28, s9  }
0x10: {  	s10 =	sadd.s32 s30, s11;
	s11 =	sadd.s32 s31, s11;
	s12 =	simm.s32 $0x3  }
.LBB2_1:
0x11: {  	[tilespmem:s2], [sflag:$0x3] =	stream.linear.gather [hbm4b:s4+s2], $0x80, $0x38;
	[tilespmem:$0x8100] =	vst v63  }
0x12: {  	_ =	swait.ge [sflag:s12], $0x80  }
0x13: {  	[sflag:s12] =	ssyncset.done $0x0  }
0x14: {  	[sflag:s12] =	ssyncadd.s32 $0xFFFFFF80  }
0x15: {  	[tilespmem:s14], [sflag:$0x1] =	stream.indirect.gather [hbm4b:s3+s13], $0x80, s2, s13, $0xb8;
	[tilespmem:$0x8100] =	vst v63  }
0x16: {  	_ = 	snop  }
0x17: {  	[tilespmem:s13], [sflag:$0x3] =	stream.linear.gather [hbm4b:s5+s2], $0x80, $0x38;
	[tilespmem:$0x8100] =	vst v63  }
0x18: {  	_ =	swait.ge [sflag:s12], $0x80  }
0x19: {  	[sflag:s12] =	ssyncset.done $0x0  }
0x1a: {  	[sflag:s12] =	ssyncadd.s32 $0xFFFFFF80  }
0x1b: {  	[tilespmem:s15], [sflag:$0x2] =	stream.indirect.gather [hbm4b:s3+s13], $0x80, s13, s13, $0xb8;
	[tilespmem:$0x8100] =	vst v63  }
0x1c: {  	_ =	swait.ge [sflag:s16], $0x4000  }
0x1d: {  	[sflag:s16] =	ssyncset.done $0x0  }
0x1e: {  	[sflag:s16] =	ssyncadd.s32 $0xFFFFC000  }
0x1f: {  	[hbm4b:s9+s2] =	stream.linear.scatter [tilespmem:s14], [sflag:$0x3], $0x4000, $0x38;
	[tilespmem:$0x8100] =	vst v63  }
0x20: {  	_ =	swait.ge [sflag:s12], $0x4000  }
0x21: {  	[sflag:s12] =	ssyncset.done $0x0  }
0x22: {  	s19 =	sadd.s32 $0x0, s11;
	[sflag:s12] =	ssyncadd.s32 $0xFFFFC000  }
0x23: {  	[tilespmem:s2], [sflag:$0x3] =	stream.linear.gather [hbm4b:s19+s2], $0x80, $0x38;
	[tilespmem:$0x8100] =	vst v63  }
0x24: {  	_ =	swait.ge [sflag:s12], $0x80  }
0x25: {  	[sflag:s12] =	ssyncset.done $0x0  }
0x26: {  	[sflag:s12] =	ssyncadd.s32 $0xFFFFFF80  }
0x27: {  	[tilespmem:s14], [sflag:$0x1] =	stream.indirect.gather [hbm4b:s3+s13], $0x80, s2, s13, $0xb8;
	[tilespmem:$0x8100] =	vst v63  }
0x28: {  	_ =	swait.ge [sflag:s17], $0x4000  }
0x29: {  	[sflag:s17] =	ssyncset.done $0x0  }
0x2a: {  	s30 =	sadd.s32 $0x800, s9;
	[sflag:s17] =	ssyncadd.s32 $0xFFFFC000  }
0x2b: {  	[hbm4b:s30+s2] =	stream.linear.scatter [tilespmem:s15], [sflag:$0x3], $0x4000, $0x38;
	[tilespmem:$0x8100] =	vst v63  }
0x2c: {  	_ =	swait.ge [sflag:s12], $0x4000  }
0x2d: {  	[sflag:s12] =	ssyncset.done $0x0  }
0x2e: {  	s31 =	sadd.s32 $0x0, s10;
	[sflag:s12] =	ssyncadd.s32 $0xFFFFC000  }
0x2f: {  	[tilespmem:s13], [sflag:$0x3] =	stream.linear.gather [hbm4b:s31+s2], $0x80, $0x38;
	[tilespmem:$0x8100] =	vst v63  }
0x30: {  	_ =	swait.ge [sflag:s12], $0x80  }
0x31: {  	[sflag:s12] =	ssyncset.done $0x0  }
0x32: {  	s20 =	sadd.s32 $0x1000, s9;
	s19 =	simm.s32 $0x20;
	[sflag:s12] =	ssyncadd.s32 $0xFFFFFF80  }
.LBB2_2:
0x33: {  	[tilespmem:s15], [sflag:$0x2] =	stream.indirect.gather [hbm4b:s3+s13], $0x80, s13, s13, $0xb8;
	[tilespmem:$0x8100] =	vst v63  }
0x34: {  	s21 =	smov.u32 s19  }
0x35: {  	p0 =	sne.s32 s19, $0x1C0;
	s19 =	sadd.s32 $0x20, s19;
	_ =	swait.ge [sflag:s16], $0x4000  }
0x36: {  	[sflag:s16] =	ssyncset.done $0x0  }
0x37: {  	[sflag:s16] =	ssyncadd.s32 $0xFFFFC000  }
0x38: {  	[hbm4b:s20+s2] =	stream.linear.scatter [tilespmem:s14], [sflag:$0x3], $0x4000, $0x38;
	[tilespmem:$0x8100] =	vst v63  }
0x39: {  	_ =	swait.ge [sflag:s12], $0x4000  }
0x3a: {  	[sflag:s12] =	ssyncset.done $0x0  }
0x3b: {  	s22 =	sadd.s32 s21, s11;
	[sflag:s12] =	ssyncadd.s32 $0xFFFFC000  }
0x3c: {  	[tilespmem:s2], [sflag:$0x3] =	stream.linear.gather [hbm4b:s22+s2], $0x80, $0x38;
	[tilespmem:$0x8100] =	vst v63  }
0x3d: {  	_ =	swait.ge [sflag:s12], $0x80  }
0x3e: {  	[sflag:s12] =	ssyncset.done $0x0  }
0x3f: {  	[sflag:s12] =	ssyncadd.s32 $0xFFFFFF80  }
0x40: {  	[tilespmem:s14], [sflag:$0x1] =	stream.indirect.gather [hbm4b:s3+s13], $0x80, s2, s13, $0xb8;
	[tilespmem:$0x8100] =	vst v63  }
0x41: {  	_ =	swait.ge [sflag:s17], $0x4000  }
0x42: {  	[sflag:s17] =	ssyncset.done $0x0  }
0x43: {  	s22 =	sadd.s32 $0x800, s20;
	[sflag:s17] =	ssyncadd.s32 $0xFFFFC000  }
0x44: {  	[hbm4b:s22+s2] =	stream.linear.scatter [tilespmem:s15], [sflag:$0x3], $0x4000, $0x38;
	[tilespmem:$0x8100] =	vst v63  }
0x45: {  	_ =	swait.ge [sflag:s12], $0x4000  }
0x46: {  	[sflag:s12] =	ssyncset.done $0x0  }
.Ltmp0:
0x47: {  	s21 =	sadd.s32 s21, s10;
	[sflag:s12] =	ssyncadd.s32 $0xFFFFC000;
	(pc) =	sbr.rel @p0 .LBB2_2-.Ltmp0, $4  }
0x48: {  	[tilespmem:s13], [sflag:$0x3] =	stream.linear.gather [hbm4b:s21+s2], $0x80, $0x38;
	[tilespmem:$0x8100] =	vst v63  }
0x49: {  	_ =	swait.ge [sflag:s12], $0x80  }
0x4a: {  	[sflag:s12] =	ssyncset.done $0x0  }
0x4b: {  	s20 =	sadd.s32 $0x1000, s20;
	[sflag:s12] =	ssyncadd.s32 $0xFFFFFF80  }
0x4c: {  	[tilespmem:s15], [sflag:$0x2] =	stream.indirect.gather [hbm4b:s3+s13], $0x80, s13, s13, $0xb8;
	[tilespmem:$0x8100] =	vst v63  }
0x4d: {  	_ =	swait.ge [sflag:s16], $0x4000  }
0x4e: {  	[sflag:s16] =	ssyncset.done $0x0  }
0x4f: {  	[sflag:s16] =	ssyncadd.s32 $0xFFFFC000  }
0x50: {  	[hbm4b:s6+s2] =	stream.linear.scatter [tilespmem:s14], [sflag:$0x3], $0x4000, $0x38;
	[tilespmem:$0x8100] =	vst v63  }
0x51: {  	_ =	swait.ge [sflag:s12], $0x4000  }
0x52: {  	[sflag:s12] =	ssyncset.done $0x0  }
0x53: {  	[sflag:s12] =	ssyncadd.s32 $0xFFFFC000  }
0x54: {  	s18 =	sadd.s32 $0x1, s18;
	_ =	swait.ge [sflag:s17], $0x4000  }
0x55: {  	p0 =	sne.s32 s18, s8;
	[sflag:s17] =	ssyncset.done $0x0  }
.Ltmp1:
0x56: {  	[sflag:s17] =	ssyncadd.s32 $0xFFFFC000;
	(pc) =	sbr.rel @p0 .LBB2_1-.Ltmp1, $4  }
0x57: {  	[hbm4b:s7+s2] =	stream.linear.scatter [tilespmem:s15], [sflag:$0x3], $0x4000, $0x38;
	[tilespmem:$0x8100] =	vst v63  }
0x58: {  	_ =	swait.ge [sflag:s12], $0x4000  }
0x59: {  	[sflag:s12] =	ssyncset.done $0x0  }
0x5a: {  	[sflag:s12] =	ssyncadd.s32 $0xFFFFC000  }
0x5b: {  	_ =	sfence.sel $0x180000  }
0x5c: {  	[bflag:$0x0] =	sbarrier.arrive $0xFFFF  }
0x5d: {  	p0 =	sne.s32 s1, $0x0;
	_ =	strace $0x90000047  }
0x5e: {  	s0 =	sadd.s32 @!p0 $0x100000, s0;
	[bflag:$0x2] =	sbarrier.arrive $0xFFFF  }
0x5f: {  	[sflag:s0] =	ssyncadd.tile.s32 @!p0 $0x1;
	_ =	shalt  }
.Lfunc_end2:
_tile_overlayer_lowered:
.L_overlay_start_2:
0x60: {  	(tag) =	ssettag $0x2  }
0x61: {  	s0 =	rddreg [dreg:$0x0];
	s2 =	stileid.u32  }
0x62: {  	s1 =	rddreg [dreg:$0x1];
	p0 =	sne.s32 s2, $0x0  }
0x63: {  	s3 =	rddreg [dreg:$0x2];
	[bflag:$0x3] =	sbarrier.arrive $0xFFFF;
	s2 =	simm.s32 @!p0 $0x1C03  }
0x64: {  	[timem:s3], [sflag:s2] =	dma.local @!p0 [hbm:s0], s1  }
0x65: {  	s0 =	simm.s32 @!p0 $0x3  }
0x66: {  	_ =	swait.ge @!p0 [sflag:s0], s1  }
0x67: {  	s1 =	ssub.s32 @!p0 $0x0, s1;
	[sflag:s0] =	ssyncset.done @!p0 $0x0  }
0x68: {  	[sflag:s0] =	ssyncadd.s32 @!p0 s1  }
0x69: {  	[bflag:$0x3] =	sbarrier.arrive $0xFFFF  }
0x6a: {  	_ =	shalt  }

</sc_bundles>
